<compile_context>
chip_gen: v7x
topology: tpu7x:2x2x1
jax: 0.10.2.dev20260603
libtpu: 0.0.44.dev20260713+nightly
codegen_flags: <defaults>
</compile_context>

<pallas_src>
import jax
import jax.numpy as jnp
from jax import lax
from jax.experimental import pallas as pl
from jax.experimental.pallas import tpu as pltpu
from jax.experimental.pallas import tpu_sc as plsc

G = 1024
N = 128
F = 9
H = 64
ROWS_OUT = G * (N + 1)
CH = 64
CIDX = CH * F
OUT_G = (N + 1) * H

_info = plsc.get_sparse_core_info()
NC, NS = _info.num_cores, _info.num_subcores
NW = NC * NS
GPW = G // NW
_ATOM_SPLITS = ((0, 128), (128, 128), (256, 128), (384, 128), (512, 64))


def _sc_body(x_hbm, ind_hbm, outd_hbm, atom_hbm, idt_hbm, odt_hbm, tok_hbm,
             out_hbm,
             xi0, ini0, outi0, ar0, inr0, outr0, ob0, semi0, semg0, semo0,
             xi1, ini1, outi1, ar1, inr1, outr1, ob1, semi1, semg1, semo1,
             tok):
    c = lax.axis_index("c")
    s = lax.axis_index("s")
    wid = s * NC + c
    pltpu.sync_copy(tok_hbm, tok)
    slot0 = (xi0, ini0, outi0, ar0, inr0, outr0, ob0, semi0, semg0, semo0)
    slot1 = (xi1, ini1, outi1, ar1, inr1, outr1, ob1, semi1, semg1, semo1)

    def prefetch_idx(t, slot):
        xi, ini, outi = slot[0], slot[1], slot[2]
        semi = slot[7]
        g = wid * GPW + t // 2
        p = t % 2
        xoff = g * (N * F) + p * CIDX
        doff = g * N + p * CH
        pltpu.make_async_copy(x_hbm.at[pl.ds(xoff, CIDX)], xi, semi).start()
        pltpu.make_async_copy(ind_hbm.at[pl.ds(doff, CH)], ini, semi).start()
        pltpu.make_async_copy(outd_hbm.at[pl.ds(doff, CH)], outi, semi).start()

    def wait_idx(slot):
        xi, ini, outi = slot[0], slot[1], slot[2]
        semi = slot[7]
        pltpu.make_async_copy(x_hbm.at[pl.ds(0, CIDX)], xi, semi).wait()
        pltpu.make_async_copy(ind_hbm.at[pl.ds(0, CH)], ini, semi).wait()
        pltpu.make_async_copy(outd_hbm.at[pl.ds(0, CH)], outi, semi).wait()

    def _gather_pairs(slot):
        xi, ini, outi, ar, inr, outr = slot[:6]
        pairs = []
        for off, n in _ATOM_SPLITS:
            pairs.append((atom_hbm.at[xi.at[pl.ds(off, n)]],
                          ar.at[pl.ds(off, n)]))
        pairs.append((idt_hbm.at[ini], inr))
        pairs.append((odt_hbm.at[outi], outr))
        return pairs

    def issue_gathers(slot):
        wait_idx(slot)
        semg = slot[8]
        for src, dst in _gather_pairs(slot):
            pltpu.make_async_copy(src, dst, semg).start()

    def wait_gathers(slot):
        semg = slot[8]
        for src, dst in _gather_pairs(slot):
            pltpu.make_async_copy(src, dst, semg).wait()

    def _store_pair(slot, g, even):
        ob, semo = slot[6], slot[9]
        if even:
            return ob, out_hbm.at[g, pl.ds(0, CH + 1)], semo
        return (ob.at[pl.ds(0, CH)],
                out_hbm.at[g, pl.ds(CH + 1, CH)], semo)

    def compute_store(t, slot, even, j):
        ar, inr, outr, ob = slot[3], slot[4], slot[5], slot[6]
        g = wid * GPW + t // 2
        base = 1 if even else 0

        @pl.when(j > 0)
        def _():
            src, dst, semo = _store_pair(slot, 0, even)
            pltpu.make_async_copy(src, dst, semo).wait()

        def node_body(i, carry2):
            for k in range(H // 16):
                sl = pl.ds(k * 16, 16)
                acc = inr[i, sl] + outr[i, sl]
                for f in range(F):
                    acc = acc + ar[i * F + f, sl]
                ob[i + base, sl] = acc
            return carry2

        lax.fori_loop(0, CH, node_body, 0)
        src, dst, semo = _store_pair(slot, g, even)
        pltpu.make_async_copy(src, dst, semo).start()

    prefetch_idx(0, slot0)
    issue_gathers(slot0)
    prefetch_idx(1, slot1)
    for k in range(H // 16):
        ob0[0, pl.ds(k * 16, 16)] = tok[pl.ds(k * 16, 16)]

    def body(j, carry):
        t0 = 2 * j
        t1 = 2 * j + 1
        issue_gathers(slot1)
        wait_gathers(slot0)

        @pl.when(j < GPW - 1)
        def _():
            prefetch_idx(t0 + 2, slot0)

        compute_store(t0, slot0, even=True, j=j)

        @pl.when(j < GPW - 1)
        def _():
            issue_gathers(slot0)

        wait_gathers(slot1)

        @pl.when(j < GPW - 1)
        def _():
            prefetch_idx(t1 + 2, slot1)

        compute_store(t1, slot1, even=False, j=j)
        return carry

    lax.fori_loop(0, GPW, body, 0)
    for slot, even in ((slot0, True), (slot1, False)):
        src, dst, semo = _store_pair(slot, 0, even)
        pltpu.make_async_copy(src, dst, semo).wait()


def _slot_types():
    return [
        pltpu.VMEM((CIDX,), jnp.int32),
        pltpu.VMEM((CH,), jnp.int32),
        pltpu.VMEM((CH,), jnp.int32),
        pltpu.VMEM((CIDX, H), jnp.float32),
        pltpu.VMEM((CH, H), jnp.float32),
        pltpu.VMEM((CH, H), jnp.float32),
        pltpu.VMEM((CH + 1, H), jnp.float32),
        pltpu.SemaphoreType.DMA,
        pltpu.SemaphoreType.DMA,
        pltpu.SemaphoreType.DMA,
    ]


_sc_call = pl.kernel(
    _sc_body,
    out_type=jax.ShapeDtypeStruct((G, N + 1, H), jnp.float32),
    mesh=plsc.VectorSubcoreMesh(core_axis_name="c", subcore_axis_name="s"),
    compiler_params=pltpu.CompilerParams(use_tc_tiling_on_sc=False),
    scratch_types=_slot_types() + _slot_types() + [
        pltpu.VMEM((H,), jnp.float32),
    ],
)


def kernel(x, in_degree, out_degree, atom_table, in_deg_table, out_deg_table,
           graph_token):
    idt = in_deg_table.at[0].set(0.0)
    odt_z = out_deg_table.at[0].set(0.0)
    xf = x.reshape(-1)
    n0 = (xf.reshape(G * N, F) == 0).sum(axis=-1, dtype=jnp.int32)
    odx = out_degree.reshape(-1) + 512 * n0
    odt2 = (odt_z[None, :, :]
            - jnp.arange(F + 1, dtype=jnp.float32)[:, None, None]
            * atom_table[0]).reshape((F + 1) * 512, H)
    out = _sc_call(
        xf,
        in_degree.reshape(-1),
        odx,
        atom_table, idt, odt2,
        graph_token.reshape(-1),
    )
    return out

# --- scband reference (transcript-rebuilt; emitter-appended) ---
"""Pipeline reference for scband-graph-node-feature-31327491457416 (READ-ONLY COPY).

The authoritative reference and input builder live on the scoring server;
editing this copy changes nothing except your own understanding.
"""

import jax, jax.numpy as jnp
import numpy as np

NUM_ATOMS = 100000
NUM_IN_DEGREE = 512
NUM_OUT_DEGREE = 512
HIDDEN_DIM = 64
N_GRAPH = 1024
N_NODE = 128
N_FEAT = 9


def _zero_pad_row(table):
    # emulate nn.Embedding(padding_idx=0): row 0 contributes zeros
    return table.at[0].set(0.0)


def setup_inputs(seed: int = 0) -> dict:
    key = jax.random.key(seed)
    k1, k2, k3, k4, k5, k6, k7 = jax.random.split(key, 7)
    x = jax.random.randint(k1, (N_GRAPH, N_NODE, N_FEAT), 0, NUM_ATOMS, dtype=jnp.int64 if jax.config.jax_enable_x64 else jnp.int32).astype(jnp.int32)
    in_degree = jax.random.randint(k2, (N_GRAPH, N_NODE), 0, NUM_IN_DEGREE).astype(jnp.int32)
    out_degree = jax.random.randint(k3, (N_GRAPH, N_NODE), 0, NUM_OUT_DEGREE).astype(jnp.int32)
    atom_table = jax.random.normal(k4, (NUM_ATOMS, HIDDEN_DIM), dtype=jnp.float32)
    in_deg_table = jax.random.normal(k5, (NUM_IN_DEGREE, HIDDEN_DIM), dtype=jnp.float32)
    out_deg_table = jax.random.normal(k6, (NUM_OUT_DEGREE, HIDDEN_DIM), dtype=jnp.float32)
    graph_token = jax.random.normal(k7, (1, HIDDEN_DIM), dtype=jnp.float32)
    return {
        "x": x,
        "in_degree": in_degree,
        "out_degree": out_degree,
        "atom_table": atom_table,
        "in_deg_table": in_deg_table,
        "out_deg_table": out_deg_table,
        "graph_token": graph_token,
    }


def reference(x, in_degree, out_degree, atom_table, in_deg_table, out_deg_table, graph_token):
    n_graph, n_node = x.shape[0], x.shape[1]
    at = _zero_pad_row(atom_table)
    idt = _zero_pad_row(in_deg_table)
    odt = _zero_pad_row(out_deg_table)
    # atom_encoder(x).sum(dim=-2)
    node_feature = jnp.take(at, x, axis=0).sum(axis=-2)  # [G, N, H]
    node_feature = node_feature + jnp.take(idt, in_degree, axis=0) + jnp.take(odt, out_degree, axis=0)
    # graph_token.weight.unsqueeze(0).repeat(n_graph, 1, 1)
    graph_token_feature = jnp.broadcast_to(graph_token[None, :, :], (n_graph, 1, graph_token.shape[-1]))
    graph_node_feature = jnp.concatenate([graph_token_feature, node_feature], axis=1)  # [G, N+1, H]
    return graph_node_feature


if False:  # reference __main__ guard neutralized (emitter)
    out = reference(**setup_inputs())
    print(out.shape, out.dtype)

if __name__ == "__main__":
    import jax
    _d = setup_inputs()
    print(jax.jit(kernel)(*tuple(_d.values())))

</pallas_src>

<mosaic_0001>
#map = affine_map<(d0, d1) -> (0)>
#map1 = affine_map<(d0, d1) -> (0, 0)>
#map2 = affine_map<(d0, d1) -> (0, 0, 0)>
module attributes {stable_mosaic.version = 14 : i64} {
  func.func @_sc_body(%arg0: i32, %arg1: i32, %arg2: memref<1179648xi32, #tpu.memory_space<hbm>>, %arg3: memref<131072xi32, #tpu.memory_space<hbm>>, %arg4: memref<131072xi32, #tpu.memory_space<hbm>>, %arg5: memref<100000x64xf32, #tpu.memory_space<hbm>>, %arg6: memref<512x64xf32, #tpu.memory_space<hbm>>, %arg7: memref<5120x64xf32, #tpu.memory_space<hbm>>, %arg8: memref<64xf32, #tpu.memory_space<hbm>>, %arg9: memref<1024x129x64xf32, #tpu.memory_space<hbm>>, %arg10: memref<576xi32, #tpu.memory_space<vmem>>, %arg11: memref<64xi32, #tpu.memory_space<vmem>>, %arg12: memref<64xi32, #tpu.memory_space<vmem>>, %arg13: memref<576x64xf32, #tpu.memory_space<vmem>>, %arg14: memref<64x64xf32, #tpu.memory_space<vmem>>, %arg15: memref<64x64xf32, #tpu.memory_space<vmem>>, %arg16: memref<65x64xf32, #tpu.memory_space<vmem>>, %arg17: memref<!tpu.dma_semaphore, #tpu.memory_space<semaphore_mem>>, %arg18: memref<!tpu.dma_semaphore, #tpu.memory_space<semaphore_mem>>, %arg19: memref<!tpu.dma_semaphore, #tpu.memory_space<semaphore_mem>>, %arg20: memref<576xi32, #tpu.memory_space<vmem>>, %arg21: memref<64xi32, #tpu.memory_space<vmem>>, %arg22: memref<64xi32, #tpu.memory_space<vmem>>, %arg23: memref<576x64xf32, #tpu.memory_space<vmem>>, %arg24: memref<64x64xf32, #tpu.memory_space<vmem>>, %arg25: memref<64x64xf32, #tpu.memory_space<vmem>>, %arg26: memref<65x64xf32, #tpu.memory_space<vmem>>, %arg27: memref<!tpu.dma_semaphore, #tpu.memory_space<semaphore_mem>>, %arg28: memref<!tpu.dma_semaphore, #tpu.memory_space<semaphore_mem>>, %arg29: memref<!tpu.dma_semaphore, #tpu.memory_space<semaphore_mem>>, %arg30: memref<64xf32, #tpu.memory_space<vmem>>) attributes {dimension_semantics = [#tpu.dimension_semantics<core_parallel>, #tpu.dimension_semantics<subcore_parallel>], iteration_bounds = array<i64: 2, 16>, scalar_prefetch = 0 : i64, scratch_operands = 21 : i64, tpu.core_type = #tpu.core_type<sc_vector_subcore>, window_params = [{transform_indices = #map}, {transform_indices = #map}, {transform_indices = #map}, {transform_indices = #map1}, {transform_indices = #map1}, {transform_indices = #map1}, {transform_indices = #map}, {transform_indices = #map2}]} {
    %mul3A = arith.constant 2 : i32
    %mul3A_0 = arith.muli %arg1, %mul3A : i32
    %add3A = arith.addi %mul3A_0, %arg0 : i32
    "tpu.region"() ({
      %run_scoped3A = tpu.sem_alloc : memref<!tpu.dma_semaphore, #tpu.memory_space<semaphore_mem>>
      tpu.enqueue_dma source(%arg8 : memref<64xf32, #tpu.memory_space<hbm>>) target(%arg30 : memref<64xf32, #tpu.memory_space<vmem>>) target_semaphore(%run_scoped3A : memref<!tpu.dma_semaphore, #tpu.memory_space<semaphore_mem>>)
      tpu.wait_dma2 semaphore(%run_scoped3A : memref<!tpu.dma_semaphore, #tpu.memory_space<semaphore_mem>>) src(%arg8 : memref<64xf32, #tpu.memory_space<hbm>>) dst(%arg30 : memref<64xf32, #tpu.memory_space<vmem>>)
      tpu.yield
    }) : () -> ()
    %mul3A_1 = arith.constant 32 : i32
    %mul3A_2 = arith.muli %add3A, %mul3A_1 : i32
    %add3A_3 = arith.constant 0 : i32
    %add3A_4 = arith.addi %mul3A_2, %add3A_3 : i32
    %mul3A_5 = arith.constant 1152 : i32
    %mul3A_6 = arith.muli %add3A_4, %mul3A_5 : i32
    %add3A_7 = arith.constant 0 : i32
    %add3A_8 = arith.addi %mul3A_6, %add3A_7 : i32
    %mul3A_9 = arith.constant 128 : i32
    %mul3A_10 = arith.muli %add3A_4, %mul3A_9 : i32
    %add3A_11 = arith.constant 0 : i32
    %add3A_12 = arith.addi %mul3A_10, %add3A_11 : i32
    %dma_start3A = tpu.memref_slice %arg2[%add3A_8] : memref<1179648xi32, #tpu.memory_space<hbm>> -> memref<576xi32, #tpu.memory_space<hbm>>
    %dma_start3A_13 = tpu.memref_slice %arg2[%add3A_8] : memref<1179648xi32, #tpu.memory_space<hbm>> -> memref<576xi32, #tpu.memory_space<hbm>>
    tpu.enqueue_dma source(%dma_start3A_13 : memref<576xi32, #tpu.memory_space<hbm>>) target(%arg10 : memref<576xi32, #tpu.memory_space<vmem>>) target_semaphore(%arg17 : memref<!tpu.dma_semaphore, #tpu.memory_space<semaphore_mem>>)
    %dma_start3A_14 = tpu.memref_slice %arg3[%add3A_12] : memref<131072xi32, #tpu.memory_space<hbm>> -> memref<64xi32, #tpu.memory_space<hbm>>
    %dma_start3A_15 = tpu.memref_slice %arg3[%add3A_12] : memref<131072xi32, #tpu.memory_space<hbm>> -> memref<64xi32, #tpu.memory_space<hbm>>
    tpu.enqueue_dma source(%dma_start3A_15 : memref<64xi32, #tpu.memory_space<hbm>>) target(%arg11 : memref<64xi32, #tpu.memory_space<vmem>>) target_semaphore(%arg17 : memref<!tpu.dma_semaphore, #tpu.memory_space<semaphore_mem>>)
    %dma_start3A_16 = tpu.memref_slice %arg4[%add3A_12] : memref<131072xi32, #tpu.memory_space<hbm>> -> memref<64xi32, #tpu.memory_space<hbm>>
    %dma_start3A_17 = tpu.memref_slice %arg4[%add3A_12] : memref<131072xi32, #tpu.memory_space<hbm>> -> memref<64xi32, #tpu.memory_space<hbm>>
    tpu.enqueue_dma source(%dma_start3A_17 : memref<64xi32, #tpu.memory_space<hbm>>) target(%arg12 : memref<64xi32, #tpu.memory_space<vmem>>) target_semaphore(%arg17 : memref<!tpu.dma_semaphore, #tpu.memory_space<semaphore_mem>>)
    %dma_wait3A = arith.constant 0 : i32
    %dma_wait3A_18 = tpu.memref_slice %arg2[%dma_wait3A] : memref<1179648xi32, #tpu.memory_space<hbm>> -> memref<576xi32, #tpu.memory_space<hbm>>
    %dma_wait3A_19 = arith.constant 0 : i32
    %dma_wait3A_20 = tpu.memref_slice %arg2[%dma_wait3A_19] : memref<1179648xi32, #tpu.memory_space<hbm>> -> memref<576xi32, #tpu.memory_space<hbm>>
    tpu.wait_dma2 semaphore(%arg17 : memref<!tpu.dma_semaphore, #tpu.memory_space<semaphore_mem>>) src(%dma_wait3A_20 : memref<576xi32, #tpu.memory_space<hbm>>) dst(%arg10 : memref<576xi32, #tpu.memory_space<vmem>>)
    %dma_wait3A_21 = arith.constant 0 : i32
    %dma_wait3A_22 = tpu.memref_slice %arg3[%dma_wait3A_21] : memref<131072xi32, #tpu.memory_space<hbm>> -> memref<64xi32, #tpu.memory_space<hbm>>
    %dma_wait3A_23 = arith.constant 0 : i32
    %dma_wait3A_24 = tpu.memref_slice %arg3[%dma_wait3A_23] : memref<131072xi32, #tpu.memory_space<hbm>> -> memref<64xi32, #tpu.memory_space<hbm>>
    tpu.wait_dma2 semaphore(%arg17 : memref<!tpu.dma_semaphore, #tpu.memory_space<semaphore_mem>>) src(%dma_wait3A_24 : memref<64xi32, #tpu.memory_space<hbm>>) dst(%arg11 : memref<64xi32, #tpu.memory_space<vmem>>)
    %dma_wait3A_25 = arith.constant 0 : i32
    %dma_wait3A_26 = tpu.memref_slice %arg4[%dma_wait3A_25] : memref<131072xi32, #tpu.memory_space<hbm>> -> memref<64xi32, #tpu.memory_space<hbm>>
    %dma_wait3A_27 = arith.constant 0 : i32
    %dma_wait3A_28 = tpu.memref_slice %arg4[%dma_wait3A_27] : memref<131072xi32, #tpu.memory_space<hbm>> -> memref<64xi32, #tpu.memory_space<hbm>>
    tpu.wait_dma2 semaphore(%arg17 : memref<!tpu.dma_semaphore, #tpu.memory_space<semaphore_mem>>) src(%dma_wait3A_28 : memref<64xi32, #tpu.memory_space<hbm>>) dst(%arg12 : memref<64xi32, #tpu.memory_space<vmem>>)
    %dma_start3A_29 = arith.constant 0 : i32
    %dma_start3A_30 = arith.constant 0 : i32
    %dma_start3A_31 = tpu.memref_slice %arg13[%dma_start3A_29, %dma_start3A_30] : memref<576x64xf32, #tpu.memory_space<vmem>> -> memref<128x64xf32, #tpu.memory_space<vmem>>
    %dma_start3A_32 = arith.constant 0 : i32
    %dma_start3A_33 = tpu.memref_slice %arg10[%dma_start3A_32] : memref<576xi32, #tpu.memory_space<vmem>> -> memref<128xi32, #tpu.memory_space<vmem>>
    %dma_start3A_34 = arith.constant 0 : i32
    %dma_start3A_35 = arith.constant 0 : i32
    %dma_start3A_36 = tpu.memref_slice %arg5[%dma_start3A_34, %dma_start3A_35] : memref<100000x64xf32, #tpu.memory_space<hbm>> -> memref<100000x64xf32, #tpu.memory_space<hbm>>
    tpu.enqueue_indirect_dma source(%dma_start3A_36 : memref<100000x64xf32, #tpu.memory_space<hbm>>) target(%dma_start3A_31 : memref<128x64xf32, #tpu.memory_space<vmem>>) offsets(%dma_start3A_33 : memref<128xi32, #tpu.memory_space<vmem>>) semaphore(%arg18 : memref<!tpu.dma_semaphore, #tpu.memory_space<semaphore_mem>>)
    %dma_start3A_37 = arith.constant 128 : i32
    %dma_start3A_38 = arith.constant 0 : i32
    %dma_start3A_39 = tpu.memref_slice %arg13[%dma_start3A_37, %dma_start3A_38] : memref<576x64xf32, #tpu.memory_space<vmem>> -> memref<128x64xf32, #tpu.memory_space<vmem>>
    %dma_start3A_40 = arith.constant 128 : i32
    %dma_start3A_41 = tpu.memref_slice %arg10[%dma_start3A_40] : memref<576xi32, #tpu.memory_space<vmem>> -> memref<128xi32, #tpu.memory_space<vmem>>
    %dma_start3A_42 = arith.constant 0 : i32
    %dma_start3A_43 = arith.constant 0 : i32
    %dma_start3A_44 = tpu.memref_slice %arg5[%dma_start3A_42, %dma_start3A_43] : memref<100000x64xf32, #tpu.memory_space<hbm>> -> memref<100000x64xf32, #tpu.memory_space<hbm>>
    tpu.enqueue_indirect_dma source(%dma_start3A_44 : memref<100000x64xf32, #tpu.memory_space<hbm>>) target(%dma_start3A_39 : memref<128x64xf32, #tpu.memory_space<vmem>>) offsets(%dma_start3A_41 : memref<128xi32, #tpu.memory_space<vmem>>) semaphore(%arg18 : memref<!tpu.dma_semaphore, #tpu.memory_space<semaphore_mem>>)
    %dma_start3A_45 = arith.constant 256 : i32
    %dma_start3A_46 = arith.constant 0 : i32
    %dma_start3A_47 = tpu.memref_slice %arg13[%dma_start3A_45, %dma_start3A_46] : memref<576x64xf32, #tpu.memory_space<vmem>> -> memref<128x64xf32, #tpu.memory_space<vmem>>
    %dma_start3A_48 = arith.constant 256 : i32
    %dma_start3A_49 = tpu.memref_slice %arg10[%dma_start3A_48] : memref<576xi32, #tpu.memory_space<vmem>> -> memref<128xi32, #tpu.memory_space<vmem>>
    %dma_start3A_50 = arith.constant 0 : i32
    %dma_start3A_51 = arith.constant 0 : i32
    %dma_start3A_52 = tpu.memref_slice %arg5[%dma_start3A_50, %dma_start3A_51] : memref<100000x64xf32, #tpu.memory_space<hbm>> -> memref<100000x64xf32, #tpu.memory_space<hbm>>
    tpu.enqueue_indirect_dma source(%dma_start3A_52 : memref<100000x64xf32, #tpu.memory_space<hbm>>) target(%dma_start3A_47 : memref<128x64xf32, #tpu.memory_space<vmem>>) offsets(%dma_start3A_49 : memref<128xi32, #tpu.memory_space<vmem>>) semaphore(%arg18 : memref<!tpu.dma_semaphore, #tpu.memory_space<semaphore_mem>>)
    %dma_start3A_53 = arith.constant 384 : i32
    %dma_start3A_54 = arith.constant 0 : i32
    %dma_start3A_55 = tpu.memref_slice %arg13[%dma_start3A_53, %dma_start3A_54] : memref<576x64xf32, #tpu.memory_space<vmem>> -> memref<128x64xf32, #tpu.memory_space<vmem>>
    %dma_start3A_56 = arith.constant 384 : i32
    %dma_start3A_57 = tpu.memref_slice %arg10[%dma_start3A_56] : memref<576xi32, #tpu.memory_space<vmem>> -> memref<128xi32, #tpu.memory_space<vmem>>
    %dma_start3A_58 = arith.constant 0 : i32
    %dma_start3A_59 = arith.constant 0 : i32
    %dma_start3A_60 = tpu.memref_slice %arg5[%dma_start3A_58, %dma_start3A_59] : memref<100000x64xf32, #tpu.memory_space<hbm>> -> memref<100000x64xf32, #tpu.memory_space<hbm>>
    tpu.enqueue_indirect_dma source(%dma_start3A_60 : memref<100000x64xf32, #tpu.memory_space<hbm>>) target(%dma_start3A_55 : memref<128x64xf32, #tpu.memory_space<vmem>>) offsets(%dma_start3A_57 : memref<128xi32, #tpu.memory_space<vmem>>) semaphore(%arg18 : memref<!tpu.dma_semaphore, #tpu.memory_space<semaphore_mem>>)
    %dma_start3A_61 = arith.constant 512 : i32
    %dma_start3A_62 = arith.constant 0 : i32
    %dma_start3A_63 = tpu.memref_slice %arg13[%dma_start3A_61, %dma_start3A_62] : memref<576x64xf32, #tpu.memory_space<vmem>> -> memref<64x64xf32, #tpu.memory_space<vmem>>
    %dma_start3A_64 = arith.constant 512 : i32
    %dma_start3A_65 = tpu.memref_slice %arg10[%dma_start3A_64] : memref<576xi32, #tpu.memory_space<vmem>> -> memref<64xi32, #tpu.memory_space<vmem>>
    %dma_start3A_66 = arith.constant 0 : i32
    %dma_start3A_67 = arith.constant 0 : i32
    %dma_start3A_68 = tpu.memref_slice %arg5[%dma_start3A_66, %dma_start3A_67] : memref<100000x64xf32, #tpu.memory_space<hbm>> -> memref<100000x64xf32, #tpu.memory_space<hbm>>
    tpu.enqueue_indirect_dma source(%dma_start3A_68 : memref<100000x64xf32, #tpu.memory_space<hbm>>) target(%dma_start3A_63 : memref<64x64xf32, #tpu.memory_space<vmem>>) offsets(%dma_start3A_65 : memref<64xi32, #tpu.memory_space<vmem>>) semaphore(%arg18 : memref<!tpu.dma_semaphore, #tpu.memory_space<semaphore_mem>>)
    %dma_start3A_69 = arith.constant 0 : i32
    %dma_start3A_70 = arith.constant 0 : i32
    %dma_start3A_71 = tpu.memref_slice %arg6[%dma_start3A_69, %dma_start3A_70] : memref<512x64xf32, #tpu.memory_space<hbm>> -> memref<512x64xf32, #tpu.memory_space<hbm>>
    tpu.enqueue_indirect_dma source(%dma_start3A_71 : memref<512x64xf32, #tpu.memory_space<hbm>>) target(%arg14 : memref<64x64xf32, #tpu.memory_space<vmem>>) offsets(%arg11 : memref<64xi32, #tpu.memory_space<vmem>>) semaphore(%arg18 : memref<!tpu.dma_semaphore, #tpu.memory_space<semaphore_mem>>)
    %dma_start3A_72 = arith.constant 0 : i32
    %dma_start3A_73 = arith.constant 0 : i32
    %dma_start3A_74 = tpu.memref_slice %arg7[%dma_start3A_72, %dma_start3A_73] : memref<5120x64xf32, #tpu.memory_space<hbm>> -> memref<5120x64xf32, #tpu.memory_space<hbm>>
    tpu.enqueue_indirect_dma source(%dma_start3A_74 : memref<5120x64xf32, #tpu.memory_space<hbm>>) target(%arg15 : memref<64x64xf32, #tpu.memory_space<vmem>>) offsets(%arg12 : memref<64xi32, #tpu.memory_space<vmem>>) semaphore(%arg18 : memref<!tpu.dma_semaphore, #tpu.memory_space<semaphore_mem>>)
    %mul3A_75 = arith.constant 32 : i32
    %mul3A_76 = arith.muli %add3A, %mul3A_75 : i32
    %add3A_77 = arith.constant 0 : i32
    %add3A_78 = arith.addi %mul3A_76, %add3A_77 : i32
    %mul3A_79 = arith.constant 1152 : i32
    %mul3A_80 = arith.muli %add3A_78, %mul3A_79 : i32
    %add3A_81 = arith.constant 576 : i32
    %add3A_82 = arith.addi %mul3A_80, %add3A_81 : i32
    %mul3A_83 = arith.constant 128 : i32
    %mul3A_84 = arith.muli %add3A_78, %mul3A_83 : i32
    %add3A_85 = arith.constant 64 : i32
    %add3A_86 = arith.addi %mul3A_84, %add3A_85 : i32
    %dma_start3A_87 = tpu.memref_slice %arg2[%add3A_82] : memref<1179648xi32, #tpu.memory_space<hbm>> -> memref<576xi32, #tpu.memory_space<hbm>>
    %dma_start3A_88 = tpu.memref_slice %arg2[%add3A_82] : memref<1179648xi32, #tpu.memory_space<hbm>> -> memref<576xi32, #tpu.memory_space<hbm>>
    tpu.enqueue_dma source(%dma_start3A_88 : memref<576xi32, #tpu.memory_space<hbm>>) target(%arg20 : memref<576xi32, #tpu.memory_space<vmem>>) target_semaphore(%arg27 : memref<!tpu.dma_semaphore, #tpu.memory_space<semaphore_mem>>)
    %dma_start3A_89 = tpu.memref_slice %arg3[%add3A_86] : memref<131072xi32, #tpu.memory_space<hbm>> -> memref<64xi32, #tpu.memory_space<hbm>>
    %dma_start3A_90 = tpu.memref_slice %arg3[%add3A_86] : memref<131072xi32, #tpu.memory_space<hbm>> -> memref<64xi32, #tpu.memory_space<hbm>>
    tpu.enqueue_dma source(%dma_start3A_90 : memref<64xi32, #tpu.memory_space<hbm>>) target(%arg21 : memref<64xi32, #tpu.memory_space<vmem>>) target_semaphore(%arg27 : memref<!tpu.dma_semaphore, #tpu.memory_space<semaphore_mem>>)
    %dma_start3A_91 = tpu.memref_slice %arg4[%add3A_86] : memref<131072xi32, #tpu.memory_space<hbm>> -> memref<64xi32, #tpu.memory_space<hbm>>
    %dma_start3A_92 = tpu.memref_slice %arg4[%add3A_86] : memref<131072xi32, #tpu.memory_space<hbm>> -> memref<64xi32, #tpu.memory_space<hbm>>
    tpu.enqueue_dma source(%dma_start3A_92 : memref<64xi32, #tpu.memory_space<hbm>>) target(%arg22 : memref<64xi32, #tpu.memory_space<vmem>>) target_semaphore(%arg27 : memref<!tpu.dma_semaphore, #tpu.memory_space<semaphore_mem>>)
    %get3A = arith.constant 0 : index
    %get3A_93 = tpu.vector_load %arg30[%get3A] {strides = array<i32>} : memref<64xf32, #tpu.memory_space<vmem>>, vector<16xf32>,
    %get3A_94 = vector.shape_cast %get3A_93 : vector<16xf32> to vector<16xf32>
    %swap3A = arith.constant 0 : i32
    %swap3A_95 = arith.index_cast %swap3A : i32 to index
    %swap3A_96 = arith.constant 0 : index
    %swap3A_97 = tpu.vector_load %arg16[%swap3A_95, %swap3A_96] {strides = array<i32>} : memref<65x64xf32, #tpu.memory_space<vmem>>, vector<1x16xf32>,
    %swap3A_98 = vector.shape_cast %swap3A_97 : vector<1x16xf32> to vector<16xf32>
    %swap3A_99 = vector.shape_cast %get3A_94 : vector<16xf32> to vector<1x16xf32>
    tpu.vector_store %arg16[%swap3A_95, %swap3A_96], %swap3A_99 {strides = array<i32>} : memref<65x64xf32, #tpu.memory_space<vmem>>, vector<1x16xf32>,
    %get3A_100 = arith.constant 16 : index
    %get3A_101 = tpu.vector_load %arg30[%get3A_100] {strides = array<i32>} : memref<64xf32, #tpu.memory_space<vmem>>, vector<16xf32>,
    %get3A_102 = vector.shape_cast %get3A_101 : vector<16xf32> to vector<16xf32>
    %swap3A_103 = arith.constant 0 : i32
    %swap3A_104 = arith.index_cast %swap3A_103 : i32 to index
    %swap3A_105 = arith.constant 16 : index
    %swap3A_106 = tpu.vector_load %arg16[%swap3A_104, %swap3A_105] {strides = array<i32>} : memref<65x64xf32, #tpu.memory_space<vmem>>, vector<1x16xf32>,
    %swap3A_107 = vector.shape_cast %swap3A_106 : vector<1x16xf32> to vector<16xf32>
    %swap3A_108 = vector.shape_cast %get3A_102 : vector<16xf32> to vector<1x16xf32>
    tpu.vector_store %arg16[%swap3A_104, %swap3A_105], %swap3A_108 {strides = array<i32>} : memref<65x64xf32, #tpu.memory_space<vmem>>, vector<1x16xf32>,
    %get3A_109 = arith.constant 32 : index
    %get3A_110 = tpu.vector_load %arg30[%get3A_109] {strides = array<i32>} : memref<64xf32, #tpu.memory_space<vmem>>, vector<16xf32>,
    %get3A_111 = vector.shape_cast %get3A_110 : vector<16xf32> to vector<16xf32>
    %swap3A_112 = arith.constant 0 : i32
    %swap3A_113 = arith.index_cast %swap3A_112 : i32 to index
    %swap3A_114 = arith.constant 32 : index
    %swap3A_115 = tpu.vector_load %arg16[%swap3A_113, %swap3A_114] {strides = array<i32>} : memref<65x64xf32, #tpu.memory_space<vmem>>, vector<1x16xf32>,
    %swap3A_116 = vector.shape_cast %swap3A_115 : vector<1x16xf32> to vector<16xf32>
    %swap3A_117 = vector.shape_cast %get3A_111 : vector<16xf32> to vector<1x16xf32>
    tpu.vector_store %arg16[%swap3A_113, %swap3A_114], %swap3A_117 {strides = array<i32>} : memref<65x64xf32, #tpu.memory_space<vmem>>, vector<1x16xf32>,
    %get3A_118 = arith.constant 48 : index
    %get3A_119 = tpu.vector_load %arg30[%get3A_118] {strides = array<i32>} : memref<64xf32, #tpu.memory_space<vmem>>, vector<16xf32>,
    %get3A_120 = vector.shape_cast %get3A_119 : vector<16xf32> to vector<16xf32>
    %swap3A_121 = arith.constant 0 : i32
    %swap3A_122 = arith.index_cast %swap3A_121 : i32 to index
    %swap3A_123 = arith.constant 48 : index
    %swap3A_124 = tpu.vector_load %arg16[%swap3A_122, %swap3A_123] {strides = array<i32>} : memref<65x64xf32, #tpu.memory_space<vmem>>, vector<1x16xf32>,
    %swap3A_125 = vector.shape_cast %swap3A_124 : vector<1x16xf32> to vector<16xf32>
    %swap3A_126 = vector.shape_cast %get3A_120 : vector<16xf32> to vector<1x16xf32>
    tpu.vector_store %arg16[%swap3A_122, %swap3A_123], %swap3A_126 {strides = array<i32>} : memref<65x64xf32, #tpu.memory_space<vmem>>, vector<1x16xf32>,
    %scan3A = arith.constant 0 : i32
    %scan3A_127 = arith.constant 0 : i32
    %scan3A_128 = arith.constant 32 : i32
    %scan3A_129 = arith.addi %scan3A_127, %scan3A_128 : i32
    %scan3A_130 = arith.constant 1 : i32
    scf.for %scan3A_156 = %scan3A_127 to %scan3A_129 step %scan3A_130  : i32 {
      %mul3A_157 = arith.constant 2 : i32
      %mul3A_158 = arith.muli %mul3A_157, %scan3A_156 : i32
      %mul3A_159 = arith.constant 2 : i32
      %mul3A_160 = arith.muli %mul3A_159, %scan3A_156 : i32
      %add3A_161 = arith.constant 1 : i32
      %add3A_162 = arith.addi %mul3A_160, %add3A_161 : i32
      %dma_wait3A_163 = arith.constant 0 : i32
      %dma_wait3A_164 = tpu.memref_slice %arg2[%dma_wait3A_163] : memref<1179648xi32, #tpu.memory_space<hbm>> -> memref<576xi32, #tpu.memory_space<hbm>>
      %dma_wait3A_165 = arith.constant 0 : i32
      %dma_wait3A_166 = tpu.memref_slice %arg2[%dma_wait3A_165] : memref<1179648xi32, #tpu.memory_space<hbm>> -> memref<576xi32, #tpu.memory_space<hbm>>
      tpu.wait_dma2 semaphore(%arg27 : memref<!tpu.dma_semaphore, #tpu.memory_space<semaphore_mem>>) src(%dma_wait3A_166 : memref<576xi32, #tpu.memory_space<hbm>>) dst(%arg20 : memref<576xi32, #tpu.memory_space<vmem>>)
      %dma_wait3A_167 = arith.constant 0 : i32
      %dma_wait3A_168 = tpu.memref_slice %arg3[%dma_wait3A_167] : memref<131072xi32, #tpu.memory_space<hbm>> -> memref<64xi32, #tpu.memory_space<hbm>>
      %dma_wait3A_169 = arith.constant 0 : i32
      %dma_wait3A_170 = tpu.memref_slice %arg3[%dma_wait3A_169] : memref<131072xi32, #tpu.memory_space<hbm>> -> memref<64xi32, #tpu.memory_space<hbm>>
      tpu.wait_dma2 semaphore(%arg27 : memref<!tpu.dma_semaphore, #tpu.memory_space<semaphore_mem>>) src(%dma_wait3A_170 : memref<64xi32, #tpu.memory_space<hbm>>) dst(%arg21 : memref<64xi32, #tpu.memory_space<vmem>>)
      %dma_wait3A_171 = arith.constant 0 : i32
      %dma_wait3A_172 = tpu.memref_slice %arg4[%dma_wait3A_171] : memref<131072xi32, #tpu.memory_space<hbm>> -> memref<64xi32, #tpu.memory_space<hbm>>
      %dma_wait3A_173 = arith.constant 0 : i32
      %dma_wait3A_174 = tpu.memref_slice %arg4[%dma_wait3A_173] : memref<131072xi32, #tpu.memory_space<hbm>> -> memref<64xi32, #tpu.memory_space<hbm>>
      tpu.wait_dma2 semaphore(%arg27 : memref<!tpu.dma_semaphore, #tpu.memory_space<semaphore_mem>>) src(%dma_wait3A_174 : memref<64xi32, #tpu.memory_space<hbm>>) dst(%arg22 : memref<64xi32, #tpu.memory_space<vmem>>)
      %dma_start3A_175 = arith.constant 0 : i32
      %dma_start3A_176 = arith.constant 0 : i32
      %dma_start3A_177 = tpu.memref_slice %arg23[%dma_start3A_175, %dma_start3A_176] : memref<576x64xf32, #tpu.memory_space<vmem>> -> memref<128x64xf32, #tpu.memory_space<vmem>>
      %dma_start3A_178 = arith.constant 0 : i32
      %dma_start3A_179 = tpu.memref_slice %arg20[%dma_start3A_178] : memref<576xi32, #tpu.memory_space<vmem>> -> memref<128xi32, #tpu.memory_space<vmem>>
      %dma_start3A_180 = arith.constant 0 : i32
      %dma_start3A_181 = arith.constant 0 : i32
      %dma_start3A_182 = tpu.memref_slice %arg5[%dma_start3A_180, %dma_start3A_181] : memref<100000x64xf32, #tpu.memory_space<hbm>> -> memref<100000x64xf32, #tpu.memory_space<hbm>>
      tpu.enqueue_indirect_dma source(%dma_start3A_182 : memref<100000x64xf32, #tpu.memory_space<hbm>>) target(%dma_start3A_177 : memref<128x64xf32, #tpu.memory_space<vmem>>) offsets(%dma_start3A_179 : memref<128xi32, #tpu.memory_space<vmem>>) semaphore(%arg28 : memref<!tpu.dma_semaphore, #tpu.memory_space<semaphore_mem>>)
      %dma_start3A_183 = arith.constant 128 : i32
      %dma_start3A_184 = arith.constant 0 : i32
      %dma_start3A_185 = tpu.memref_slice %arg23[%dma_start3A_183, %dma_start3A_184] : memref<576x64xf32, #tpu.memory_space<vmem>> -> memref<128x64xf32, #tpu.memory_space<vmem>>
      %dma_start3A_186 = arith.constant 128 : i32
      %dma_start3A_187 = tpu.memref_slice %arg20[%dma_start3A_186] : memref<576xi32, #tpu.memory_space<vmem>> -> memref<128xi32, #tpu.memory_space<vmem>>
      %dma_start3A_188 = arith.constant 0 : i32
      %dma_start3A_189 = arith.constant 0 : i32
      %dma_start3A_190 = tpu.memref_slice %arg5[%dma_start3A_188, %dma_start3A_189] : memref<100000x64xf32, #tpu.memory_space<hbm>> -> memref<100000x64xf32, #tpu.memory_space<hbm>>
      tpu.enqueue_indirect_dma source(%dma_start3A_190 : memref<100000x64xf32, #tpu.memory_space<hbm>>) target(%dma_start3A_185 : memref<128x64xf32, #tpu.memory_space<vmem>>) offsets(%dma_start3A_187 : memref<128xi32, #tpu.memory_space<vmem>>) semaphore(%arg28 : memref<!tpu.dma_semaphore, #tpu.memory_space<semaphore_mem>>)
      %dma_start3A_191 = arith.constant 256 : i32
      %dma_start3A_192 = arith.constant 0 : i32
      %dma_start3A_193 = tpu.memref_slice %arg23[%dma_start3A_191, %dma_start3A_192] : memref<576x64xf32, #tpu.memory_space<vmem>> -> memref<128x64xf32, #tpu.memory_space<vmem>>
      %dma_start3A_194 = arith.constant 256 : i32
      %dma_start3A_195 = tpu.memref_slice %arg20[%dma_start3A_194] : memref<576xi32, #tpu.memory_space<vmem>> -> memref<128xi32, #tpu.memory_space<vmem>>
      %dma_start3A_196 = arith.constant 0 : i32
      %dma_start3A_197 = arith.constant 0 : i32
      %dma_start3A_198 = tpu.memref_slice %arg5[%dma_start3A_196, %dma_start3A_197] : memref<100000x64xf32, #tpu.memory_space<hbm>> -> memref<100000x64xf32, #tpu.memory_space<hbm>>
      tpu.enqueue_indirect_dma source(%dma_start3A_198 : memref<100000x64xf32, #tpu.memory_space<hbm>>) target(%dma_start3A_193 : memref<128x64xf32, #tpu.memory_space<vmem>>) offsets(%dma_start3A_195 : memref<128xi32, #tpu.memory_space<vmem>>) semaphore(%arg28 : memref<!tpu.dma_semaphore, #tpu.memory_space<semaphore_mem>>)
      %dma_start3A_199 = arith.constant 384 : i32
      %dma_start3A_200 = arith.constant 0 : i32
      %dma_start3A_201 = tpu.memref_slice %arg23[%dma_start3A_199, %dma_start3A_200] : memref<576x64xf32, #tpu.memory_space<vmem>> -> memref<128x64xf32, #tpu.memory_space<vmem>>
      %dma_start3A_202 = arith.constant 384 : i32
      %dma_start3A_203 = tpu.memref_slice %arg20[%dma_start3A_202] : memref<576xi32, #tpu.memory_space<vmem>> -> memref<128xi32, #tpu.memory_space<vmem>>
      %dma_start3A_204 = arith.constant 0 : i32
      %dma_start3A_205 = arith.constant 0 : i32
      %dma_start3A_206 = tpu.memref_slice %arg5[%dma_start3A_204, %dma_start3A_205] : memref<100000x64xf32, #tpu.memory_space<hbm>> -> memref<100000x64xf32, #tpu.memory_space<hbm>>
      tpu.enqueue_indirect_dma source(%dma_start3A_206 : memref<100000x64xf32, #tpu.memory_space<hbm>>) target(%dma_start3A_201 : memref<128x64xf32, #tpu.memory_space<vmem>>) offsets(%dma_start3A_203 : memref<128xi32, #tpu.memory_space<vmem>>) semaphore(%arg28 : memref<!tpu.dma_semaphore, #tpu.memory_space<semaphore_mem>>)
      %dma_start3A_207 = arith.constant 512 : i32
      %dma_start3A_208 = arith.constant 0 : i32
      %dma_start3A_209 = tpu.memref_slice %arg23[%dma_start3A_207, %dma_start3A_208] : memref<576x64xf32, #tpu.memory_space<vmem>> -> memref<64x64xf32, #tpu.memory_space<vmem>>
      %dma_start3A_210 = arith.constant 512 : i32
      %dma_start3A_211 = tpu.memref_slice %arg20[%dma_start3A_210] : memref<576xi32, #tpu.memory_space<vmem>> -> memref<64xi32, #tpu.memory_space<vmem>>
      %dma_start3A_212 = arith.constant 0 : i32
      %dma_start3A_213 = arith.constant 0 : i32
      %dma_start3A_214 = tpu.memref_slice %arg5[%dma_start3A_212, %dma_start3A_213] : memref<100000x64xf32, #tpu.memory_space<hbm>> -> memref<100000x64xf32, #tpu.memory_space<hbm>>
      tpu.enqueue_indirect_dma source(%dma_start3A_214 : memref<100000x64xf32, #tpu.memory_space<hbm>>) target(%dma_start3A_209 : memref<64x64xf32, #tpu.memory_space<vmem>>) offsets(%dma_start3A_211 : memref<64xi32, #tpu.memory_space<vmem>>) semaphore(%arg28 : memref<!tpu.dma_semaphore, #tpu.memory_space<semaphore_mem>>)
      %dma_start3A_215 = arith.constant 0 : i32
      %dma_start3A_216 = arith.constant 0 : i32
      %dma_start3A_217 = tpu.memref_slice %arg6[%dma_start3A_215, %dma_start3A_216] : memref<512x64xf32, #tpu.memory_space<hbm>> -> memref<512x64xf32, #tpu.memory_space<hbm>>
      tpu.enqueue_indirect_dma source(%dma_start3A_217 : memref<512x64xf32, #tpu.memory_space<hbm>>) target(%arg24 : memref<64x64xf32, #tpu.memory_space<vmem>>) offsets(%arg21 : memref<64xi32, #tpu.memory_space<vmem>>) semaphore(%arg28 : memref<!tpu.dma_semaphore, #tpu.memory_space<semaphore_mem>>)
      %dma_start3A_218 = arith.constant 0 : i32
      %dma_start3A_219 = arith.constant 0 : i32
      %dma_start3A_220 = tpu.memref_slice %arg7[%dma_start3A_218, %dma_start3A_219] : memref<5120x64xf32, #tpu.memory_space<hbm>> -> memref<5120x64xf32, #tpu.memory_space<hbm>>
      tpu.enqueue_indirect_dma source(%dma_start3A_220 : memref<5120x64xf32, #tpu.memory_space<hbm>>) target(%arg25 : memref<64x64xf32, #tpu.memory_space<vmem>>) offsets(%arg22 : memref<64xi32, #tpu.memory_space<vmem>>) semaphore(%arg28 : memref<!tpu.dma_semaphore, #tpu.memory_space<semaphore_mem>>)
      %dma_wait3A_221 = arith.constant 0 : i32
      %dma_wait3A_222 = arith.constant 0 : i32
      %dma_wait3A_223 = tpu.memref_slice %arg13[%dma_wait3A_221, %dma_wait3A_222] : memref<576x64xf32, #tpu.memory_space<vmem>> -> memref<128x64xf32, #tpu.memory_space<vmem>>
      %dma_wait3A_224 = arith.constant 0 : i32
      %dma_wait3A_225 = tpu.memref_slice %arg10[%dma_wait3A_224] : memref<576xi32, #tpu.memory_space<vmem>> -> memref<128xi32, #tpu.memory_space<vmem>>
      %dma_wait3A_226 = arith.constant 0 : i32
      %dma_wait3A_227 = arith.constant 0 : i32
      %dma_wait3A_228 = tpu.memref_slice %arg5[%dma_wait3A_226, %dma_wait3A_227] : memref<100000x64xf32, #tpu.memory_space<hbm>> -> memref<100000x64xf32, #tpu.memory_space<hbm>>
      tpu.wait_indirect_dma semaphore(%arg18 : memref<!tpu.dma_semaphore, #tpu.memory_space<semaphore_mem>>) src(%dma_wait3A_228 : memref<100000x64xf32, #tpu.memory_space<hbm>>) dst(%dma_wait3A_223 : memref<128x64xf32, #tpu.memory_space<vmem>>)
      %dma_wait3A_229 = arith.constant 128 : i32
      %dma_wait3A_230 = arith.constant 0 : i32
      %dma_wait3A_231 = tpu.memref_slice %arg13[%dma_wait3A_229, %dma_wait3A_230] : memref<576x64xf32, #tpu.memory_space<vmem>> -> memref<128x64xf32, #tpu.memory_space<vmem>>
      %dma_wait3A_232 = arith.constant 128 : i32
      %dma_wait3A_233 = tpu.memref_slice %arg10[%dma_wait3A_232] : memref<576xi32, #tpu.memory_space<vmem>> -> memref<128xi32, #tpu.memory_space<vmem>>
      %dma_wait3A_234 = arith.constant 0 : i32
      %dma_wait3A_235 = arith.constant 0 : i32
      %dma_wait3A_236 = tpu.memref_slice %arg5[%dma_wait3A_234, %dma_wait3A_235] : memref<100000x64xf32, #tpu.memory_space<hbm>> -> memref<100000x64xf32, #tpu.memory_space<hbm>>
      tpu.wait_indirect_dma semaphore(%arg18 : memref<!tpu.dma_semaphore, #tpu.memory_space<semaphore_mem>>) src(%dma_wait3A_236 : memref<100000x64xf32, #tpu.memory_space<hbm>>) dst(%dma_wait3A_231 : memref<128x64xf32, #tpu.memory_space<vmem>>)
      %dma_wait3A_237 = arith.constant 256 : i32
      %dma_wait3A_238 = arith.constant 0 : i32
      %dma_wait3A_239 = tpu.memref_slice %arg13[%dma_wait3A_237, %dma_wait3A_238] : memref<576x64xf32, #tpu.memory_space<vmem>> -> memref<128x64xf32, #tpu.memory_space<vmem>>
      %dma_wait3A_240 = arith.constant 256 : i32
      %dma_wait3A_241 = tpu.memref_slice %arg10[%dma_wait3A_240] : memref<576xi32, #tpu.memory_space<vmem>> -> memref<128xi32, #tpu.memory_space<vmem>>
      %dma_wait3A_242 = arith.constant 0 : i32
      %dma_wait3A_243 = arith.constant 0 : i32
      %dma_wait3A_244 = tpu.memref_slice %arg5[%dma_wait3A_242, %dma_wait3A_243] : memref<100000x64xf32, #tpu.memory_space<hbm>> -> memref<100000x64xf32, #tpu.memory_space<hbm>>
      tpu.wait_indirect_dma semaphore(%arg18 : memref<!tpu.dma_semaphore, #tpu.memory_space<semaphore_mem>>) src(%dma_wait3A_244 : memref<100000x64xf32, #tpu.memory_space<hbm>>) dst(%dma_wait3A_239 : memref<128x64xf32, #tpu.memory_space<vmem>>)
      %dma_wait3A_245 = arith.constant 384 : i32
      %dma_wait3A_246 = arith.constant 0 : i32
      %dma_wait3A_247 = tpu.memref_slice %arg13[%dma_wait3A_245, %dma_wait3A_246] : memref<576x64xf32, #tpu.memory_space<vmem>> -> memref<128x64xf32, #tpu.memory_space<vmem>>
      %dma_wait3A_248 = arith.constant 384 : i32
      %dma_wait3A_249 = tpu.memref_slice %arg10[%dma_wait3A_248] : memref<576xi32, #tpu.memory_space<vmem>> -> memref<128xi32, #tpu.memory_space<vmem>>
      %dma_wait3A_250 = arith.constant 0 : i32
      %dma_wait3A_251 = arith.constant 0 : i32
      %dma_wait3A_252 = tpu.memref_slice %arg5[%dma_wait3A_250, %dma_wait3A_251] : memref<100000x64xf32, #tpu.memory_space<hbm>> -> memref<100000x64xf32, #tpu.memory_space<hbm>>
      tpu.wait_indirect_dma semaphore(%arg18 : memref<!tpu.dma_semaphore, #tpu.memory_space<semaphore_mem>>) src(%dma_wait3A_252 : memref<100000x64xf32, #tpu.memory_space<hbm>>) dst(%dma_wait3A_247 : memref<128x64xf32, #tpu.memory_space<vmem>>)
      %dma_wait3A_253 = arith.constant 512 : i32
      %dma_wait3A_254 = arith.constant 0 : i32
      %dma_wait3A_255 = tpu.memref_slice %arg13[%dma_wait3A_253, %dma_wait3A_254] : memref<576x64xf32, #tpu.memory_space<vmem>> -> memref<64x64xf32, #tpu.memory_space<vmem>>
      %dma_wait3A_256 = arith.constant 512 : i32
      %dma_wait3A_257 = tpu.memref_slice %arg10[%dma_wait3A_256] : memref<576xi32, #tpu.memory_space<vmem>> -> memref<64xi32, #tpu.memory_space<vmem>>
      %dma_wait3A_258 = arith.constant 0 : i32
      %dma_wait3A_259 = arith.constant 0 : i32
      %dma_wait3A_260 = tpu.memref_slice %arg5[%dma_wait3A_258, %dma_wait3A_259] : memref<100000x64xf32, #tpu.memory_space<hbm>> -> memref<100000x64xf32, #tpu.memory_space<hbm>>
      tpu.wait_indirect_dma semaphore(%arg18 : memref<!tpu.dma_semaphore, #tpu.memory_space<semaphore_mem>>) src(%dma_wait3A_260 : memref<100000x64xf32, #tpu.memory_space<hbm>>) dst(%dma_wait3A_255 : memref<64x64xf32, #tpu.memory_space<vmem>>)
      %dma_wait3A_261 = arith.constant 0 : i32
      %dma_wait3A_262 = arith.constant 0 : i32
      %dma_wait3A_263 = tpu.memref_slice %arg6[%dma_wait3A_261, %dma_wait3A_262] : memref<512x64xf32, #tpu.memory_space<hbm>> -> memref<512x64xf32, #tpu.memory_space<hbm>>
      tpu.wait_indirect_dma semaphore(%arg18 : memref<!tpu.dma_semaphore, #tpu.memory_space<semaphore_mem>>) src(%dma_wait3A_263 : memref<512x64xf32, #tpu.memory_space<hbm>>) dst(%arg14 : memref<64x64xf32, #tpu.memory_space<vmem>>)
      %dma_wait3A_264 = arith.constant 0 : i32
      %dma_wait3A_265 = arith.constant 0 : i32
      %dma_wait3A_266 = tpu.memref_slice %arg7[%dma_wait3A_264, %dma_wait3A_265] : memref<5120x64xf32, #tpu.memory_space<hbm>> -> memref<5120x64xf32, #tpu.memory_space<hbm>>
      tpu.wait_indirect_dma semaphore(%arg18 : memref<!tpu.dma_semaphore, #tpu.memory_space<semaphore_mem>>) src(%dma_wait3A_266 : memref<5120x64xf32, #tpu.memory_space<hbm>>) dst(%arg15 : memref<64x64xf32, #tpu.memory_space<vmem>>)
      %lt3A = arith.constant 31 : i32
      %lt3A_267 = arith.cmpi slt, %scan3A_156, %lt3A : i32
      %convert_element_type3A = arith.extui %lt3A_267 : i1 to i32
      %cond3A = arith.constant 0 : i32
      %cond3A_268 = arith.cmpi ne, %convert_element_type3A, %cond3A : i32
      scf.if %cond3A_268 {
        %add3A_414 = arith.constant 2 : i32
        %add3A_415 = arith.addi %mul3A_158, %add3A_414 : i32
        %mul3A_416 = arith.constant 32 : i32
        %mul3A_417 = arith.muli %add3A, %mul3A_416 : i32
        %jit3A_418 = arith.constant 2 : i32
        %div3A_419 = arith.divsi %add3A_415, %jit3A_418 : i32
        %sign3A_420 = arith.constant 0 : i32
        %sign3A_421 = arith.cmpi sgt, %add3A_415, %sign3A_420 : i32
        %sign3A_422 = arith.extui %sign3A_421 : i1 to i32
        %sign3A_423 = arith.constant 0 : i32
        %sign3A_424 = arith.cmpi slt, %add3A_415, %sign3A_423 : i32
        %sign3A_425 = arith.extui %sign3A_424 : i1 to i32
        %sign3A_426 = arith.subi %sign3A_422, %sign3A_425 : i32
        %sign3A_427 = arith.constant 0 : i32
        %sign3A_428 = arith.cmpi sgt, %jit3A_418, %sign3A_427 : i32
        %sign3A_429 = arith.extui %sign3A_428 : i1 to i32
        %sign3A_430 = arith.constant 0 : i32
        %sign3A_431 = arith.cmpi slt, %jit3A_418, %sign3A_430 : i32
        %sign3A_432 = arith.extui %sign3A_431 : i1 to i32
        %sign3A_433 = arith.subi %sign3A_429, %sign3A_432 : i32
        %ne3A_434 = arith.cmpi ne, %sign3A_426, %sign3A_433 : i32
        %rem3A_435 = arith.remsi %add3A_415, %jit3A_418 : i32
        %ne3A_436 = arith.constant 0 : i32
        %ne3A_437 = arith.cmpi ne, %rem3A_435, %ne3A_436 : i32
        %and3A_438 = arith.andi %ne3A_434, %ne3A_437 : i1
        %sub3A_439 = arith.constant 1 : i32
        %sub3A_440 = arith.subi %div3A_419, %sub3A_439 : i32
        %select_n3A_441 = arith.select %and3A_438, %sub3A_440, %div3A_419 : i32
        %add3A_442 = arith.addi %mul3A_417, %select_n3A_441 : i32
        %jit3A_443 = arith.constant 2 : i32
        %eq3A = arith.constant 0 : i32
        %eq3A_444 = arith.cmpi eq, %jit3A_443, %eq3A : i32
        %jit3A_445 = arith.constant 1 : i32
        %select_n3A_446 = arith.select %eq3A_444, %jit3A_445, %jit3A_443 : i32
        %rem3A_447 = arith.remsi %add3A_415, %select_n3A_446 : i32
        %ne3A_448 = arith.constant 0 : i32
        %ne3A_449 = arith.cmpi ne, %rem3A_447, %ne3A_448 : i32
        %lt3A_450 = arith.constant 0 : i32
        %lt3A_451 = arith.cmpi slt, %rem3A_447, %lt3A_450 : i32
        %lt3A_452 = arith.constant 0 : i32
        %lt3A_453 = arith.cmpi slt, %select_n3A_446, %lt3A_452 : i32
        %ne3A_454 = arith.xori %lt3A_451, %lt3A_453 : i1
        %and3A_455 = arith.andi %ne3A_454, %ne3A_449 : i1
        %add3A_456 = arith.addi %rem3A_447, %select_n3A_446 : i32
        %select_n3A_457 = arith.select %and3A_455, %add3A_456, %rem3A_447 : i32
        %mul3A_458 = arith.constant 1152 : i32
        %mul3A_459 = arith.muli %add3A_442, %mul3A_458 : i32
        %mul3A_460 = arith.constant 576 : i32
        %mul3A_461 = arith.muli %select_n3A_457, %mul3A_460 : i32
        %add3A_462 = arith.addi %mul3A_459, %mul3A_461 : i32
        %mul3A_463 = arith.constant 128 : i32
        %mul3A_464 = arith.muli %add3A_442, %mul3A_463 : i32
        %mul3A_465 = arith.constant 64 : i32
        %mul3A_466 = arith.muli %select_n3A_457, %mul3A_465 : i32
        %add3A_467 = arith.addi %mul3A_464, %mul3A_466 : i32
        %dma_start3A_468 = tpu.memref_slice %arg2[%add3A_462] : memref<1179648xi32, #tpu.memory_space<hbm>> -> memref<576xi32, #tpu.memory_space<hbm>>
        %dma_start3A_469 = tpu.memref_slice %arg2[%add3A_462] : memref<1179648xi32, #tpu.memory_space<hbm>> -> memref<576xi32, #tpu.memory_space<hbm>>
        tpu.enqueue_dma source(%dma_start3A_469 : memref<576xi32, #tpu.memory_space<hbm>>) target(%arg10 : memref<576xi32, #tpu.memory_space<vmem>>) target_semaphore(%arg17 : memref<!tpu.dma_semaphore, #tpu.memory_space<semaphore_mem>>)
        %dma_start3A_470 = tpu.memref_slice %arg3[%add3A_467] : memref<131072xi32, #tpu.memory_space<hbm>> -> memref<64xi32, #tpu.memory_space<hbm>>
        %dma_start3A_471 = tpu.memref_slice %arg3[%add3A_467] : memref<131072xi32, #tpu.memory_space<hbm>> -> memref<64xi32, #tpu.memory_space<hbm>>
        tpu.enqueue_dma source(%dma_start3A_471 : memref<64xi32, #tpu.memory_space<hbm>>) target(%arg11 : memref<64xi32, #tpu.memory_space<vmem>>) target_semaphore(%arg17 : memref<!tpu.dma_semaphore, #tpu.memory_space<semaphore_mem>>)
        %dma_start3A_472 = tpu.memref_slice %arg4[%add3A_467] : memref<131072xi32, #tpu.memory_space<hbm>> -> memref<64xi32, #tpu.memory_space<hbm>>
        %dma_start3A_473 = tpu.memref_slice %arg4[%add3A_467] : memref<131072xi32, #tpu.memory_space<hbm>> -> memref<64xi32, #tpu.memory_space<hbm>>
        tpu.enqueue_dma source(%dma_start3A_473 : memref<64xi32, #tpu.memory_space<hbm>>) target(%arg12 : memref<64xi32, #tpu.memory_space<vmem>>) target_semaphore(%arg17 : memref<!tpu.dma_semaphore, #tpu.memory_space<semaphore_mem>>)
      } else {
      }
      %mul3A_269 = arith.constant 32 : i32
      %mul3A_270 = arith.muli %add3A, %mul3A_269 : i32
      %jit3A = arith.constant 2 : i32
      %div3A = arith.divsi %mul3A_158, %jit3A : i32
      %sign3A = arith.constant 0 : i32
      %sign3A_271 = arith.cmpi sgt, %mul3A_158, %sign3A : i32
      %sign3A_272 = arith.extui %sign3A_271 : i1 to i32
      %sign3A_273 = arith.constant 0 : i32
      %sign3A_274 = arith.cmpi slt, %mul3A_158, %sign3A_273 : i32
      %sign3A_275 = arith.extui %sign3A_274 : i1 to i32
      %sign3A_276 = arith.subi %sign3A_272, %sign3A_275 : i32
      %sign3A_277 = arith.constant 0 : i32
      %sign3A_278 = arith.cmpi sgt, %jit3A, %sign3A_277 : i32
      %sign3A_279 = arith.extui %sign3A_278 : i1 to i32
      %sign3A_280 = arith.constant 0 : i32
      %sign3A_281 = arith.cmpi slt, %jit3A, %sign3A_280 : i32
      %sign3A_282 = arith.extui %sign3A_281 : i1 to i32
      %sign3A_283 = arith.subi %sign3A_279, %sign3A_282 : i32
      %ne3A = arith.cmpi ne, %sign3A_276, %sign3A_283 : i32
      %rem3A = arith.remsi %mul3A_158, %jit3A : i32
      %ne3A_284 = arith.constant 0 : i32
      %ne3A_285 = arith.cmpi ne, %rem3A, %ne3A_284 : i32
      %and3A = arith.andi %ne3A, %ne3A_285 : i1
      %sub3A = arith.constant 1 : i32
      %sub3A_286 = arith.subi %div3A, %sub3A : i32
      %select_n3A = arith.select %and3A, %sub3A_286, %div3A : i32
      %add3A_287 = arith.addi %mul3A_270, %select_n3A : i32
      %gt3A = arith.constant 0 : i32
      %gt3A_288 = arith.cmpi sgt, %scan3A_156, %gt3A : i32
      %convert_element_type3A_289 = arith.extui %gt3A_288 : i1 to i32
      %cond3A_290 = arith.constant 0 : i32
      %cond3A_291 = arith.cmpi ne, %convert_element_type3A_289, %cond3A_290 : i32
      scf.if %cond3A_291 {
        %dma_wait3A_414 = arith.constant 0 : i32
        %dma_wait3A_415 = arith.constant 0 : i32
        %dma_wait3A_416 = arith.constant 0 : i32
        %dma_wait3A_417 = tpu.memref_slice %arg9[%dma_wait3A_414, %dma_wait3A_415, %dma_wait3A_416] : memref<1024x129x64xf32, #tpu.memory_space<hbm>> -> memref<1x65x64xf32, #tpu.memory_space<hbm>>
        %dma_wait3A_418 = tpu.memref_squeeze %dma_wait3A_417 : memref<1x65x64xf32, #tpu.memory_space<hbm>> -> memref<65x64xf32, #tpu.memory_space<hbm>>
        %dma_wait3A_419 = arith.constant 0 : i32
        %dma_wait3A_420 = arith.constant 0 : i32
        %dma_wait3A_421 = tpu.memref_slice %arg9[%dma_wait3A_414, %dma_wait3A_419, %dma_wait3A_420] : memref<1024x129x64xf32, #tpu.memory_space<hbm>> -> memref<1x65x64xf32, #tpu.memory_space<hbm>>
        %dma_wait3A_422 = tpu.memref_squeeze %dma_wait3A_421 : memref<1x65x64xf32, #tpu.memory_space<hbm>> -> memref<65x64xf32, #tpu.memory_space<hbm>>
        tpu.wait_dma2 semaphore(%arg19 : memref<!tpu.dma_semaphore, #tpu.memory_space<semaphore_mem>>) src(%arg16 : memref<65x64xf32, #tpu.memory_space<vmem>>) dst(%dma_wait3A_422 : memref<65x64xf32, #tpu.memory_space<hbm>>)
      } else {
      }
      %scan3A_292 = arith.constant 0 : i32
      %scan3A_293 = arith.constant 0 : i32
      %scan3A_294 = arith.constant 64 : i32
      %scan3A_295 = arith.addi %scan3A_293, %scan3A_294 : i32
      %scan3A_296 = arith.constant 1 : i32
      scf.for %scan3A_414 = %scan3A_293 to %scan3A_295 step %scan3A_296  : i32 {
        %get3A_415 = arith.index_cast %scan3A_414 : i32 to index
        %get3A_416 = arith.constant 0 : index
        %get3A_417 = tpu.vector_load %arg14[%get3A_415, %get3A_416] {strides = array<i32>} : memref<64x64xf32, #tpu.memory_space<vmem>>, vector<1x16xf32>,
        %get3A_418 = vector.shape_cast %get3A_417 : vector<1x16xf32> to vector<16xf32>
        %get3A_419 = arith.index_cast %scan3A_414 : i32 to index
        %get3A_420 = arith.constant 0 : index
        %get3A_421 = tpu.vector_load %arg15[%get3A_419, %get3A_420] {strides = array<i32>} : memref<64x64xf32, #tpu.memory_space<vmem>>, vector<1x16xf32>,
        %get3A_422 = vector.shape_cast %get3A_421 : vector<1x16xf32> to vector<16xf32>
        %add3A_423 = arith.addf %get3A_418, %get3A_422 : vector<16xf32>
        %mul3A_424 = arith.constant 9 : i32
        %mul3A_425 = arith.muli %scan3A_414, %mul3A_424 : i32
        %add3A_426 = arith.constant 0 : i32
        %add3A_427 = arith.addi %mul3A_425, %add3A_426 : i32
        %get3A_428 = arith.index_cast %add3A_427 : i32 to index
        %get3A_429 = arith.constant 0 : index
        %get3A_430 = tpu.vector_load %arg13[%get3A_428, %get3A_429] {strides = array<i32>} : memref<576x64xf32, #tpu.memory_space<vmem>>, vector<1x16xf32>,
        %get3A_431 = vector.shape_cast %get3A_430 : vector<1x16xf32> to vector<16xf32>
        %add3A_432 = arith.addf %add3A_423, %get3A_431 : vector<16xf32>
        %mul3A_433 = arith.constant 9 : i32
        %mul3A_434 = arith.muli %scan3A_414, %mul3A_433 : i32
        %add3A_435 = arith.constant 1 : i32
        %add3A_436 = arith.addi %mul3A_434, %add3A_435 : i32
        %get3A_437 = arith.index_cast %add3A_436 : i32 to index
        %get3A_438 = arith.constant 0 : index
        %get3A_439 = tpu.vector_load %arg13[%get3A_437, %get3A_438] {strides = array<i32>} : memref<576x64xf32, #tpu.memory_space<vmem>>, vector<1x16xf32>,
        %get3A_440 = vector.shape_cast %get3A_439 : vector<1x16xf32> to vector<16xf32>
        %add3A_441 = arith.addf %add3A_432, %get3A_440 : vector<16xf32>
        %mul3A_442 = arith.constant 9 : i32
        %mul3A_443 = arith.muli %scan3A_414, %mul3A_442 : i32
        %add3A_444 = arith.constant 2 : i32
        %add3A_445 = arith.addi %mul3A_443, %add3A_444 : i32
        %get3A_446 = arith.index_cast %add3A_445 : i32 to index
        %get3A_447 = arith.constant 0 : index
        %get3A_448 = tpu.vector_load %arg13[%get3A_446, %get3A_447] {strides = array<i32>} : memref<576x64xf32, #tpu.memory_space<vmem>>, vector<1x16xf32>,
        %get3A_449 = vector.shape_cast %get3A_448 : vector<1x16xf32> to vector<16xf32>
        %add3A_450 = arith.addf %add3A_441, %get3A_449 : vector<16xf32>
        %mul3A_451 = arith.constant 9 : i32
        %mul3A_452 = arith.muli %scan3A_414, %mul3A_451 : i32
        %add3A_453 = arith.constant 3 : i32
        %add3A_454 = arith.addi %mul3A_452, %add3A_453 : i32
        %get3A_455 = arith.index_cast %add3A_454 : i32 to index
        %get3A_456 = arith.constant 0 : index
        %get3A_457 = tpu.vector_load %arg13[%get3A_455, %get3A_456] {strides = array<i32>} : memref<576x64xf32, #tpu.memory_space<vmem>>, vector<1x16xf32>,
        %get3A_458 = vector.shape_cast %get3A_457 : vector<1x16xf32> to vector<16xf32>
        %add3A_459 = arith.addf %add3A_450, %get3A_458 : vector<16xf32>
        %mul3A_460 = arith.constant 9 : i32
        %mul3A_461 = arith.muli %scan3A_414, %mul3A_460 : i32
        %add3A_462 = arith.constant 4 : i32
        %add3A_463 = arith.addi %mul3A_461, %add3A_462 : i32
        %get3A_464 = arith.index_cast %add3A_463 : i32 to index
        %get3A_465 = arith.constant 0 : index
        %get3A_466 = tpu.vector_load %arg13[%get3A_464, %get3A_465] {strides = array<i32>} : memref<576x64xf32, #tpu.memory_space<vmem>>, vector<1x16xf32>,
        %get3A_467 = vector.shape_cast %get3A_466 : vector<1x16xf32> to vector<16xf32>
        %add3A_468 = arith.addf %add3A_459, %get3A_467 : vector<16xf32>
        %mul3A_469 = arith.constant 9 : i32
        %mul3A_470 = arith.muli %scan3A_414, %mul3A_469 : i32
        %add3A_471 = arith.constant 5 : i32
        %add3A_472 = arith.addi %mul3A_470, %add3A_471 : i32
        %get3A_473 = arith.index_cast %add3A_472 : i32 to index
        %get3A_474 = arith.constant 0 : index
        %get3A_475 = tpu.vector_load %arg13[%get3A_473, %get3A_474] {strides = array<i32>} : memref<576x64xf32, #tpu.memory_space<vmem>>, vector<1x16xf32>,
        %get3A_476 = vector.shape_cast %get3A_475 : vector<1x16xf32> to vector<16xf32>
        %add3A_477 = arith.addf %add3A_468, %get3A_476 : vector<16xf32>
        %mul3A_478 = arith.constant 9 : i32
        %mul3A_479 = arith.muli %scan3A_414, %mul3A_478 : i32
        %add3A_480 = arith.constant 6 : i32
        %add3A_481 = arith.addi %mul3A_479, %add3A_480 : i32
        %get3A_482 = arith.index_cast %add3A_481 : i32 to index
        %get3A_483 = arith.constant 0 : index
        %get3A_484 = tpu.vector_load %arg13[%get3A_482, %get3A_483] {strides = array<i32>} : memref<576x64xf32, #tpu.memory_space<vmem>>, vector<1x16xf32>,
        %get3A_485 = vector.shape_cast %get3A_484 : vector<1x16xf32> to vector<16xf32>
        %add3A_486 = arith.addf %add3A_477, %get3A_485 : vector<16xf32>
        %mul3A_487 = arith.constant 9 : i32
        %mul3A_488 = arith.muli %scan3A_414, %mul3A_487 : i32
        %add3A_489 = arith.constant 7 : i32
        %add3A_490 = arith.addi %mul3A_488, %add3A_489 : i32
        %get3A_491 = arith.index_cast %add3A_490 : i32 to index
        %get3A_492 = arith.constant 0 : index
        %get3A_493 = tpu.vector_load %arg13[%get3A_491, %get3A_492] {strides = array<i32>} : memref<576x64xf32, #tpu.memory_space<vmem>>, vector<1x16xf32>,
        %get3A_494 = vector.shape_cast %get3A_493 : vector<1x16xf32> to vector<16xf32>
        %add3A_495 = arith.addf %add3A_486, %get3A_494 : vector<16xf32>
        %mul3A_496 = arith.constant 9 : i32
        %mul3A_497 = arith.muli %scan3A_414, %mul3A_496 : i32
        %add3A_498 = arith.constant 8 : i32
        %add3A_499 = arith.addi %mul3A_497, %add3A_498 : i32
        %get3A_500 = arith.index_cast %add3A_499 : i32 to index
        %get3A_501 = arith.constant 0 : index
        %get3A_502 = tpu.vector_load %arg13[%get3A_500, %get3A_501] {strides = array<i32>} : memref<576x64xf32, #tpu.memory_space<vmem>>, vector<1x16xf32>,
        %get3A_503 = vector.shape_cast %get3A_502 : vector<1x16xf32> to vector<16xf32>
        %add3A_504 = arith.addf %add3A_495, %get3A_503 : vector<16xf32>
        %add3A_505 = arith.constant 1 : i32
        %add3A_506 = arith.addi %scan3A_414, %add3A_505 : i32
        %swap3A_507 = arith.index_cast %add3A_506 : i32 to index
        %swap3A_508 = arith.constant 0 : index
        %swap3A_509 = tpu.vector_load %arg16[%swap3A_507, %swap3A_508] {strides = array<i32>} : memref<65x64xf32, #tpu.memory_space<vmem>>, vector<1x16xf32>,
        %swap3A_510 = vector.shape_cast %swap3A_509 : vector<1x16xf32> to vector<16xf32>
        %swap3A_511 = vector.shape_cast %add3A_504 : vector<16xf32> to vector<1x16xf32>
        tpu.vector_store %arg16[%swap3A_507, %swap3A_508], %swap3A_511 {strides = array<i32>} : memref<65x64xf32, #tpu.memory_space<vmem>>, vector<1x16xf32>,
        %get3A_512 = arith.index_cast %scan3A_414 : i32 to index
        %get3A_513 = arith.constant 16 : index
        %get3A_514 = tpu.vector_load %arg14[%get3A_512, %get3A_513] {strides = array<i32>} : memref<64x64xf32, #tpu.memory_space<vmem>>, vector<1x16xf32>,
        %get3A_515 = vector.shape_cast %get3A_514 : vector<1x16xf32> to vector<16xf32>
        %get3A_516 = arith.index_cast %scan3A_414 : i32 to index
        %get3A_517 = arith.constant 16 : index
        %get3A_518 = tpu.vector_load %arg15[%get3A_516, %get3A_517] {strides = array<i32>} : memref<64x64xf32, #tpu.memory_space<vmem>>, vector<1x16xf32>,
        %get3A_519 = vector.shape_cast %get3A_518 : vector<1x16xf32> to vector<16xf32>
        %add3A_520 = arith.addf %get3A_515, %get3A_519 : vector<16xf32>
        %mul3A_521 = arith.constant 9 : i32
        %mul3A_522 = arith.muli %scan3A_414, %mul3A_521 : i32
        %add3A_523 = arith.constant 0 : i32
        %add3A_524 = arith.addi %mul3A_522, %add3A_523 : i32
        %get3A_525 = arith.index_cast %add3A_524 : i32 to index
        %get3A_526 = arith.constant 16 : index
        %get3A_527 = tpu.vector_load %arg13[%get3A_525, %get3A_526] {strides = array<i32>} : memref<576x64xf32, #tpu.memory_space<vmem>>, vector<1x16xf32>,
        %get3A_528 = vector.shape_cast %get3A_527 : vector<1x16xf32> to vector<16xf32>
        %add3A_529 = arith.addf %add3A_520, %get3A_528 : vector<16xf32>
        %mul3A_530 = arith.constant 9 : i32
        %mul3A_531 = arith.muli %scan3A_414, %mul3A_530 : i32
        %add3A_532 = arith.constant 1 : i32
        %add3A_533 = arith.addi %mul3A_531, %add3A_532 : i32
        %get3A_534 = arith.index_cast %add3A_533 : i32 to index
        %get3A_535 = arith.constant 16 : index
        %get3A_536 = tpu.vector_load %arg13[%get3A_534, %get3A_535] {strides = array<i32>} : memref<576x64xf32, #tpu.memory_space<vmem>>, vector<1x16xf32>,
        %get3A_537 = vector.shape_cast %get3A_536 : vector<1x16xf32> to vector<16xf32>
        %add3A_538 = arith.addf %add3A_529, %get3A_537 : vector<16xf32>
        %mul3A_539 = arith.constant 9 : i32
        %mul3A_540 = arith.muli %scan3A_414, %mul3A_539 : i32
        %add3A_541 = arith.constant 2 : i32
        %add3A_542 = arith.addi %mul3A_540, %add3A_541 : i32
        %get3A_543 = arith.index_cast %add3A_542 : i32 to index
        %get3A_544 = arith.constant 16 : index
        %get3A_545 = tpu.vector_load %arg13[%get3A_543, %get3A_544] {strides = array<i32>} : memref<576x64xf32, #tpu.memory_space<vmem>>, vector<1x16xf32>,
        %get3A_546 = vector.shape_cast %get3A_545 : vector<1x16xf32> to vector<16xf32>
        %add3A_547 = arith.addf %add3A_538, %get3A_546 : vector<16xf32>
        %mul3A_548 = arith.constant 9 : i32
        %mul3A_549 = arith.muli %scan3A_414, %mul3A_548 : i32
        %add3A_550 = arith.constant 3 : i32
        %add3A_551 = arith.addi %mul3A_549, %add3A_550 : i32
        %get3A_552 = arith.index_cast %add3A_551 : i32 to index
        %get3A_553 = arith.constant 16 : index
        %get3A_554 = tpu.vector_load %arg13[%get3A_552, %get3A_553] {strides = array<i32>} : memref<576x64xf32, #tpu.memory_space<vmem>>, vector<1x16xf32>,
        %get3A_555 = vector.shape_cast %get3A_554 : vector<1x16xf32> to vector<16xf32>
        %add3A_556 = arith.addf %add3A_547, %get3A_555 : vector<16xf32>
        %mul3A_557 = arith.constant 9 : i32
        %mul3A_558 = arith.muli %scan3A_414, %mul3A_557 : i32
        %add3A_559 = arith.constant 4 : i32
        %add3A_560 = arith.addi %mul3A_558, %add3A_559 : i32
        %get3A_561 = arith.index_cast %add3A_560 : i32 to index
        %get3A_562 = arith.constant 16 : index
        %get3A_563 = tpu.vector_load %arg13[%get3A_561, %get3A_562] {strides = array<i32>} : memref<576x64xf32, #tpu.memory_space<vmem>>, vector<1x16xf32>,
        %get3A_564 = vector.shape_cast %get3A_563 : vector<1x16xf32> to vector<16xf32>
        %add3A_565 = arith.addf %add3A_556, %get3A_564 : vector<16xf32>
        %mul3A_566 = arith.constant 9 : i32
        %mul3A_567 = arith.muli %scan3A_414, %mul3A_566 : i32
        %add3A_568 = arith.constant 5 : i32
        %add3A_569 = arith.addi %mul3A_567, %add3A_568 : i32
        %get3A_570 = arith.index_cast %add3A_569 : i32 to index
        %get3A_571 = arith.constant 16 : index
        %get3A_572 = tpu.vector_load %arg13[%get3A_570, %get3A_571] {strides = array<i32>} : memref<576x64xf32, #tpu.memory_space<vmem>>, vector<1x16xf32>,
        %get3A_573 = vector.shape_cast %get3A_572 : vector<1x16xf32> to vector<16xf32>
        %add3A_574 = arith.addf %add3A_565, %get3A_573 : vector<16xf32>
        %mul3A_575 = arith.constant 9 : i32
        %mul3A_576 = arith.muli %scan3A_414, %mul3A_575 : i32
        %add3A_577 = arith.constant 6 : i32
        %add3A_578 = arith.addi %mul3A_576, %add3A_577 : i32
        %get3A_579 = arith.index_cast %add3A_578 : i32 to index
        %get3A_580 = arith.constant 16 : index
        %get3A_581 = tpu.vector_load %arg13[%get3A_579, %get3A_580] {strides = array<i32>} : memref<576x64xf32, #tpu.memory_space<vmem>>, vector<1x16xf32>,
        %get3A_582 = vector.shape_cast %get3A_581 : vector<1x16xf32> to vector<16xf32>
        %add3A_583 = arith.addf %add3A_574, %get3A_582 : vector<16xf32>
        %mul3A_584 = arith.constant 9 : i32
        %mul3A_585 = arith.muli %scan3A_414, %mul3A_584 : i32
        %add3A_586 = arith.constant 7 : i32
        %add3A_587 = arith.addi %mul3A_585, %add3A_586 : i32
        %get3A_588 = arith.index_cast %add3A_587 : i32 to index
        %get3A_589 = arith.constant 16 : index
        %get3A_590 = tpu.vector_load %arg13[%get3A_588, %get3A_589] {strides = array<i32>} : memref<576x64xf32, #tpu.memory_space<vmem>>, vector<1x16xf32>,
        %get3A_591 = vector.shape_cast %get3A_590 : vector<1x16xf32> to vector<16xf32>
        %add3A_592 = arith.addf %add3A_583, %get3A_591 : vector<16xf32>
        %mul3A_593 = arith.constant 9 : i32
        %mul3A_594 = arith.muli %scan3A_414, %mul3A_593 : i32
        %add3A_595 = arith.constant 8 : i32
        %add3A_596 = arith.addi %mul3A_594, %add3A_595 : i32
        %get3A_597 = arith.index_cast %add3A_596 : i32 to index
        %get3A_598 = arith.constant 16 : index
        %get3A_599 = tpu.vector_load %arg13[%get3A_597, %get3A_598] {strides = array<i32>} : memref<576x64xf32, #tpu.memory_space<vmem>>, vector<1x16xf32>,
        %get3A_600 = vector.shape_cast %get3A_599 : vector<1x16xf32> to vector<16xf32>
        %add3A_601 = arith.addf %add3A_592, %get3A_600 : vector<16xf32>
        %add3A_602 = arith.constant 1 : i32
        %add3A_603 = arith.addi %scan3A_414, %add3A_602 : i32
        %swap3A_604 = arith.index_cast %add3A_603 : i32 to index
        %swap3A_605 = arith.constant 16 : index
        %swap3A_606 = tpu.vector_load %arg16[%swap3A_604, %swap3A_605] {strides = array<i32>} : memref<65x64xf32, #tpu.memory_space<vmem>>, vector<1x16xf32>,
        %swap3A_607 = vector.shape_cast %swap3A_606 : vector<1x16xf32> to vector<16xf32>
        %swap3A_608 = vector.shape_cast %add3A_601 : vector<16xf32> to vector<1x16xf32>
        tpu.vector_store %arg16[%swap3A_604, %swap3A_605], %swap3A_608 {strides = array<i32>} : memref<65x64xf32, #tpu.memory_space<vmem>>, vector<1x16xf32>,
        %get3A_609 = arith.index_cast %scan3A_414 : i32 to index
        %get3A_610 = arith.constant 32 : index
        %get3A_611 = tpu.vector_load %arg14[%get3A_609, %get3A_610] {strides = array<i32>} : memref<64x64xf32, #tpu.memory_space<vmem>>, vector<1x16xf32>,
        %get3A_612 = vector.shape_cast %get3A_611 : vector<1x16xf32> to vector<16xf32>
        %get3A_613 = arith.index_cast %scan3A_414 : i32 to index
        %get3A_614 = arith.constant 32 : index
        %get3A_615 = tpu.vector_load %arg15[%get3A_613, %get3A_614] {strides = array<i32>} : memref<64x64xf32, #tpu.memory_space<vmem>>, vector<1x16xf32>,
        %get3A_616 = vector.shape_cast %get3A_615 : vector<1x16xf32> to vector<16xf32>
        %add3A_617 = arith.addf %get3A_612, %get3A_616 : vector<16xf32>
        %mul3A_618 = arith.constant 9 : i32
        %mul3A_619 = arith.muli %scan3A_414, %mul3A_618 : i32
        %add3A_620 = arith.constant 0 : i32
        %add3A_621 = arith.addi %mul3A_619, %add3A_620 : i32
        %get3A_622 = arith.index_cast %add3A_621 : i32 to index
        %get3A_623 = arith.constant 32 : index
        %get3A_624 = tpu.vector_load %arg13[%get3A_622, %get3A_623] {strides = array<i32>} : memref<576x64xf32, #tpu.memory_space<vmem>>, vector<1x16xf32>,
        %get3A_625 = vector.shape_cast %get3A_624 : vector<1x16xf32> to vector<16xf32>
        %add3A_626 = arith.addf %add3A_617, %get3A_625 : vector<16xf32>
        %mul3A_627 = arith.constant 9 : i32
        %mul3A_628 = arith.muli %scan3A_414, %mul3A_627 : i32
        %add3A_629 = arith.constant 1 : i32
        %add3A_630 = arith.addi %mul3A_628, %add3A_629 : i32
        %get3A_631 = arith.index_cast %add3A_630 : i32 to index
        %get3A_632 = arith.constant 32 : index
        %get3A_633 = tpu.vector_load %arg13[%get3A_631, %get3A_632] {strides = array<i32>} : memref<576x64xf32, #tpu.memory_space<vmem>>, vector<1x16xf32>,
        %get3A_634 = vector.shape_cast %get3A_633 : vector<1x16xf32> to vector<16xf32>
        %add3A_635 = arith.addf %add3A_626, %get3A_634 : vector<16xf32>
        %mul3A_636 = arith.constant 9 : i32
        %mul3A_637 = arith.muli %scan3A_414, %mul3A_636 : i32
        %add3A_638 = arith.constant 2 : i32
        %add3A_639 = arith.addi %mul3A_637, %add3A_638 : i32
        %get3A_640 = arith.index_cast %add3A_639 : i32 to index
        %get3A_641 = arith.constant 32 : index
        %get3A_642 = tpu.vector_load %arg13[%get3A_640, %get3A_641] {strides = array<i32>} : memref<576x64xf32, #tpu.memory_space<vmem>>, vector<1x16xf32>,
        %get3A_643 = vector.shape_cast %get3A_642 : vector<1x16xf32> to vector<16xf32>
        %add3A_644 = arith.addf %add3A_635, %get3A_643 : vector<16xf32>
        %mul3A_645 = arith.constant 9 : i32
        %mul3A_646 = arith.muli %scan3A_414, %mul3A_645 : i32
        %add3A_647 = arith.constant 3 : i32
        %add3A_648 = arith.addi %mul3A_646, %add3A_647 : i32
        %get3A_649 = arith.index_cast %add3A_648 : i32 to index
        %get3A_650 = arith.constant 32 : index
        %get3A_651 = tpu.vector_load %arg13[%get3A_649, %get3A_650] {strides = array<i32>} : memref<576x64xf32, #tpu.memory_space<vmem>>, vector<1x16xf32>,
        %get3A_652 = vector.shape_cast %get3A_651 : vector<1x16xf32> to vector<16xf32>
        %add3A_653 = arith.addf %add3A_644, %get3A_652 : vector<16xf32>
        %mul3A_654 = arith.constant 9 : i32
        %mul3A_655 = arith.muli %scan3A_414, %mul3A_654 : i32
        %add3A_656 = arith.constant 4 : i32
        %add3A_657 = arith.addi %mul3A_655, %add3A_656 : i32
        %get3A_658 = arith.index_cast %add3A_657 : i32 to index
        %get3A_659 = arith.constant 32 : index
        %get3A_660 = tpu.vector_load %arg13[%get3A_658, %get3A_659] {strides = array<i32>} : memref<576x64xf32, #tpu.memory_space<vmem>>, vector<1x16xf32>,
        %get3A_661 = vector.shape_cast %get3A_660 : vector<1x16xf32> to vector<16xf32>
        %add3A_662 = arith.addf %add3A_653, %get3A_661 : vector<16xf32>
        %mul3A_663 = arith.constant 9 : i32
        %mul3A_664 = arith.muli %scan3A_414, %mul3A_663 : i32
        %add3A_665 = arith.constant 5 : i32
        %add3A_666 = arith.addi %mul3A_664, %add3A_665 : i32
        %get3A_667 = arith.index_cast %add3A_666 : i32 to index
        %get3A_668 = arith.constant 32 : index
        %get3A_669 = tpu.vector_load %arg13[%get3A_667, %get3A_668] {strides = array<i32>} : memref<576x64xf32, #tpu.memory_space<vmem>>, vector<1x16xf32>,
        %get3A_670 = vector.shape_cast %get3A_669 : vector<1x16xf32> to vector<16xf32>
        %add3A_671 = arith.addf %add3A_662, %get3A_670 : vector<16xf32>
        %mul3A_672 = arith.constant 9 : i32
        %mul3A_673 = arith.muli %scan3A_414, %mul3A_672 : i32
        %add3A_674 = arith.constant 6 : i32
        %add3A_675 = arith.addi %mul3A_673, %add3A_674 : i32
        %get3A_676 = arith.index_cast %add3A_675 : i32 to index
        %get3A_677 = arith.constant 32 : index
        %get3A_678 = tpu.vector_load %arg13[%get3A_676, %get3A_677] {strides = array<i32>} : memref<576x64xf32, #tpu.memory_space<vmem>>, vector<1x16xf32>,
        %get3A_679 = vector.shape_cast %get3A_678 : vector<1x16xf32> to vector<16xf32>
        %add3A_680 = arith.addf %add3A_671, %get3A_679 : vector<16xf32>
        %mul3A_681 = arith.constant 9 : i32
        %mul3A_682 = arith.muli %scan3A_414, %mul3A_681 : i32
        %add3A_683 = arith.constant 7 : i32
        %add3A_684 = arith.addi %mul3A_682, %add3A_683 : i32
        %get3A_685 = arith.index_cast %add3A_684 : i32 to index
        %get3A_686 = arith.constant 32 : index
        %get3A_687 = tpu.vector_load %arg13[%get3A_685, %get3A_686] {strides = array<i32>} : memref<576x64xf32, #tpu.memory_space<vmem>>, vector<1x16xf32>,
        %get3A_688 = vector.shape_cast %get3A_687 : vector<1x16xf32> to vector<16xf32>
        %add3A_689 = arith.addf %add3A_680, %get3A_688 : vector<16xf32>
        %mul3A_690 = arith.constant 9 : i32
        %mul3A_691 = arith.muli %scan3A_414, %mul3A_690 : i32
        %add3A_692 = arith.constant 8 : i32
        %add3A_693 = arith.addi %mul3A_691, %add3A_692 : i32
        %get3A_694 = arith.index_cast %add3A_693 : i32 to index
        %get3A_695 = arith.constant 32 : index
        %get3A_696 = tpu.vector_load %arg13[%get3A_694, %get3A_695] {strides = array<i32>} : memref<576x64xf32, #tpu.memory_space<vmem>>, vector<1x16xf32>,
        %get3A_697 = vector.shape_cast %get3A_696 : vector<1x16xf32> to vector<16xf32>
        %add3A_698 = arith.addf %add3A_689, %get3A_697 : vector<16xf32>
        %add3A_699 = arith.constant 1 : i32
        %add3A_700 = arith.addi %scan3A_414, %add3A_699 : i32
        %swap3A_701 = arith.index_cast %add3A_700 : i32 to index
        %swap3A_702 = arith.constant 32 : index
        %swap3A_703 = tpu.vector_load %arg16[%swap3A_701, %swap3A_702] {strides = array<i32>} : memref<65x64xf32, #tpu.memory_space<vmem>>, vector<1x16xf32>,
        %swap3A_704 = vector.shape_cast %swap3A_703 : vector<1x16xf32> to vector<16xf32>
        %swap3A_705 = vector.shape_cast %add3A_698 : vector<16xf32> to vector<1x16xf32>
        tpu.vector_store %arg16[%swap3A_701, %swap3A_702], %swap3A_705 {strides = array<i32>} : memref<65x64xf32, #tpu.memory_space<vmem>>, vector<1x16xf32>,
        %get3A_706 = arith.index_cast %scan3A_414 : i32 to index
        %get3A_707 = arith.constant 48 : index
        %get3A_708 = tpu.vector_load %arg14[%get3A_706, %get3A_707] {strides = array<i32>} : memref<64x64xf32, #tpu.memory_space<vmem>>, vector<1x16xf32>,
        %get3A_709 = vector.shape_cast %get3A_708 : vector<1x16xf32> to vector<16xf32>
        %get3A_710 = arith.index_cast %scan3A_414 : i32 to index
        %get3A_711 = arith.constant 48 : index
        %get3A_712 = tpu.vector_load %arg15[%get3A_710, %get3A_711] {strides = array<i32>} : memref<64x64xf32, #tpu.memory_space<vmem>>, vector<1x16xf32>,
        %get3A_713 = vector.shape_cast %get3A_712 : vector<1x16xf32> to vector<16xf32>
        %add3A_714 = arith.addf %get3A_709, %get3A_713 : vector<16xf32>
        %mul3A_715 = arith.constant 9 : i32
        %mul3A_716 = arith.muli %scan3A_414, %mul3A_715 : i32
        %add3A_717 = arith.constant 0 : i32
        %add3A_718 = arith.addi %mul3A_716, %add3A_717 : i32
        %get3A_719 = arith.index_cast %add3A_718 : i32 to index
        %get3A_720 = arith.constant 48 : index
        %get3A_721 = tpu.vector_load %arg13[%get3A_719, %get3A_720] {strides = array<i32>} : memref<576x64xf32, #tpu.memory_space<vmem>>, vector<1x16xf32>,
        %get3A_722 = vector.shape_cast %get3A_721 : vector<1x16xf32> to vector<16xf32>
        %add3A_723 = arith.addf %add3A_714, %get3A_722 : vector<16xf32>
        %mul3A_724 = arith.constant 9 : i32
        %mul3A_725 = arith.muli %scan3A_414, %mul3A_724 : i32
        %add3A_726 = arith.constant 1 : i32
        %add3A_727 = arith.addi %mul3A_725, %add3A_726 : i32
        %get3A_728 = arith.index_cast %add3A_727 : i32 to index
        %get3A_729 = arith.constant 48 : index
        %get3A_730 = tpu.vector_load %arg13[%get3A_728, %get3A_729] {strides = array<i32>} : memref<576x64xf32, #tpu.memory_space<vmem>>, vector<1x16xf32>,
        %get3A_731 = vector.shape_cast %get3A_730 : vector<1x16xf32> to vector<16xf32>
        %add3A_732 = arith.addf %add3A_723, %get3A_731 : vector<16xf32>
        %mul3A_733 = arith.constant 9 : i32
        %mul3A_734 = arith.muli %scan3A_414, %mul3A_733 : i32
        %add3A_735 = arith.constant 2 : i32
        %add3A_736 = arith.addi %mul3A_734, %add3A_735 : i32
        %get3A_737 = arith.index_cast %add3A_736 : i32 to index
        %get3A_738 = arith.constant 48 : index
        %get3A_739 = tpu.vector_load %arg13[%get3A_737, %get3A_738] {strides = array<i32>} : memref<576x64xf32, #tpu.memory_space<vmem>>, vector<1x16xf32>,
        %get3A_740 = vector.shape_cast %get3A_739 : vector<1x16xf32> to vector<16xf32>
        %add3A_741 = arith.addf %add3A_732, %get3A_740 : vector<16xf32>
        %mul3A_742 = arith.constant 9 : i32
        %mul3A_743 = arith.muli %scan3A_414, %mul3A_742 : i32
        %add3A_744 = arith.constant 3 : i32
        %add3A_745 = arith.addi %mul3A_743, %add3A_744 : i32
        %get3A_746 = arith.index_cast %add3A_745 : i32 to index
        %get3A_747 = arith.constant 48 : index
        %get3A_748 = tpu.vector_load %arg13[%get3A_746, %get3A_747] {strides = array<i32>} : memref<576x64xf32, #tpu.memory_space<vmem>>, vector<1x16xf32>,
        %get3A_749 = vector.shape_cast %get3A_748 : vector<1x16xf32> to vector<16xf32>
        %add3A_750 = arith.addf %add3A_741, %get3A_749 : vector<16xf32>
        %mul3A_751 = arith.constant 9 : i32
        %mul3A_752 = arith.muli %scan3A_414, %mul3A_751 : i32
        %add3A_753 = arith.constant 4 : i32
        %add3A_754 = arith.addi %mul3A_752, %add3A_753 : i32
        %get3A_755 = arith.index_cast %add3A_754 : i32 to index
        %get3A_756 = arith.constant 48 : index
        %get3A_757 = tpu.vector_load %arg13[%get3A_755, %get3A_756] {strides = array<i32>} : memref<576x64xf32, #tpu.memory_space<vmem>>, vector<1x16xf32>,
        %get3A_758 = vector.shape_cast %get3A_757 : vector<1x16xf32> to vector<16xf32>
        %add3A_759 = arith.addf %add3A_750, %get3A_758 : vector<16xf32>
        %mul3A_760 = arith.constant 9 : i32
        %mul3A_761 = arith.muli %scan3A_414, %mul3A_760 : i32
        %add3A_762 = arith.constant 5 : i32
        %add3A_763 = arith.addi %mul3A_761, %add3A_762 : i32
        %get3A_764 = arith.index_cast %add3A_763 : i32 to index
        %get3A_765 = arith.constant 48 : index
        %get3A_766 = tpu.vector_load %arg13[%get3A_764, %get3A_765] {strides = array<i32>} : memref<576x64xf32, #tpu.memory_space<vmem>>, vector<1x16xf32>,
        %get3A_767 = vector.shape_cast %get3A_766 : vector<1x16xf32> to vector<16xf32>
        %add3A_768 = arith.addf %add3A_759, %get3A_767 : vector<16xf32>
        %mul3A_769 = arith.constant 9 : i32
        %mul3A_770 = arith.muli %scan3A_414, %mul3A_769 : i32
        %add3A_771 = arith.constant 6 : i32
        %add3A_772 = arith.addi %mul3A_770, %add3A_771 : i32
        %get3A_773 = arith.index_cast %add3A_772 : i32 to index
        %get3A_774 = arith.constant 48 : index
        %get3A_775 = tpu.vector_load %arg13[%get3A_773, %get3A_774] {strides = array<i32>} : memref<576x64xf32, #tpu.memory_space<vmem>>, vector<1x16xf32>,
        %get3A_776 = vector.shape_cast %get3A_775 : vector<1x16xf32> to vector<16xf32>
        %add3A_777 = arith.addf %add3A_768, %get3A_776 : vector<16xf32>
        %mul3A_778 = arith.constant 9 : i32
        %mul3A_779 = arith.muli %scan3A_414, %mul3A_778 : i32
        %add3A_780 = arith.constant 7 : i32
        %add3A_781 = arith.addi %mul3A_779, %add3A_780 : i32
        %get3A_782 = arith.index_cast %add3A_781 : i32 to index
        %get3A_783 = arith.constant 48 : index
        %get3A_784 = tpu.vector_load %arg13[%get3A_782, %get3A_783] {strides = array<i32>} : memref<576x64xf32, #tpu.memory_space<vmem>>, vector<1x16xf32>,
        %get3A_785 = vector.shape_cast %get3A_784 : vector<1x16xf32> to vector<16xf32>
        %add3A_786 = arith.addf %add3A_777, %get3A_785 : vector<16xf32>
        %mul3A_787 = arith.constant 9 : i32
        %mul3A_788 = arith.muli %scan3A_414, %mul3A_787 : i32
        %add3A_789 = arith.constant 8 : i32
        %add3A_790 = arith.addi %mul3A_788, %add3A_789 : i32
        %get3A_791 = arith.index_cast %add3A_790 : i32 to index
        %get3A_792 = arith.constant 48 : index
        %get3A_793 = tpu.vector_load %arg13[%get3A_791, %get3A_792] {strides = array<i32>} : memref<576x64xf32, #tpu.memory_space<vmem>>, vector<1x16xf32>,
        %get3A_794 = vector.shape_cast %get3A_793 : vector<1x16xf32> to vector<16xf32>
        %add3A_795 = arith.addf %add3A_786, %get3A_794 : vector<16xf32>
        %add3A_796 = arith.constant 1 : i32
        %add3A_797 = arith.addi %scan3A_414, %add3A_796 : i32
        %swap3A_798 = arith.index_cast %add3A_797 : i32 to index
        %swap3A_799 = arith.constant 48 : index
        %swap3A_800 = tpu.vector_load %arg16[%swap3A_798, %swap3A_799] {strides = array<i32>} : memref<65x64xf32, #tpu.memory_space<vmem>>, vector<1x16xf32>,
        %swap3A_801 = vector.shape_cast %swap3A_800 : vector<1x16xf32> to vector<16xf32>
        %swap3A_802 = vector.shape_cast %add3A_795 : vector<16xf32> to vector<1x16xf32>
        tpu.vector_store %arg16[%swap3A_798, %swap3A_799], %swap3A_802 {strides = array<i32>} : memref<65x64xf32, #tpu.memory_space<vmem>>, vector<1x16xf32>,
      }
      %scan3A_297 = arith.constant 64 : i32
      %dma_start3A_298 = arith.constant 0 : i32
      %dma_start3A_299 = arith.constant 0 : i32
      %dma_start3A_300 = tpu.memref_slice %arg9[%add3A_287, %dma_start3A_298, %dma_start3A_299] : memref<1024x129x64xf32, #tpu.memory_space<hbm>> -> memref<1x65x64xf32, #tpu.memory_space<hbm>>
      %dma_start3A_301 = tpu.memref_squeeze %dma_start3A_300 : memref<1x65x64xf32, #tpu.memory_space<hbm>> -> memref<65x64xf32, #tpu.memory_space<hbm>>
      %dma_start3A_302 = arith.constant 0 : i32
      %dma_start3A_303 = arith.constant 0 : i32
      %dma_start3A_304 = tpu.memref_slice %arg9[%add3A_287, %dma_start3A_302, %dma_start3A_303] : memref<1024x129x64xf32, #tpu.memory_space<hbm>> -> memref<1x65x64xf32, #tpu.memory_space<hbm>>
      %dma_start3A_305 = tpu.memref_squeeze %dma_start3A_304 : memref<1x65x64xf32, #tpu.memory_space<hbm>> -> memref<65x64xf32, #tpu.memory_space<hbm>>
      tpu.enqueue_dma source(%arg16 : memref<65x64xf32, #tpu.memory_space<vmem>>) target(%dma_start3A_305 : memref<65x64xf32, #tpu.memory_space<hbm>>) target_semaphore(%arg19 : memref<!tpu.dma_semaphore, #tpu.memory_space<semaphore_mem>>)
      %lt3A_306 = arith.constant 31 : i32
      %lt3A_307 = arith.cmpi slt, %scan3A_156, %lt3A_306 : i32
      %convert_element_type3A_308 = arith.extui %lt3A_307 : i1 to i32
      %cond3A_309 = arith.constant 0 : i32
      %cond3A_310 = arith.cmpi ne, %convert_element_type3A_308, %cond3A_309 : i32
      scf.if %cond3A_310 {
        %dma_wait3A_414 = arith.constant 0 : i32
        %dma_wait3A_415 = tpu.memref_slice %arg2[%dma_wait3A_414] : memref<1179648xi32, #tpu.memory_space<hbm>> -> memref<576xi32, #tpu.memory_space<hbm>>
        %dma_wait3A_416 = arith.constant 0 : i32
        %dma_wait3A_417 = tpu.memref_slice %arg2[%dma_wait3A_416] : memref<1179648xi32, #tpu.memory_space<hbm>> -> memref<576xi32, #tpu.memory_space<hbm>>
        tpu.wait_dma2 semaphore(%arg17 : memref<!tpu.dma_semaphore, #tpu.memory_space<semaphore_mem>>) src(%dma_wait3A_417 : memref<576xi32, #tpu.memory_space<hbm>>) dst(%arg10 : memref<576xi32, #tpu.memory_space<vmem>>)
        %dma_wait3A_418 = arith.constant 0 : i32
        %dma_wait3A_419 = tpu.memref_slice %arg3[%dma_wait3A_418] : memref<131072xi32, #tpu.memory_space<hbm>> -> memref<64xi32, #tpu.memory_space<hbm>>
        %dma_wait3A_420 = arith.constant 0 : i32
        %dma_wait3A_421 = tpu.memref_slice %arg3[%dma_wait3A_420] : memref<131072xi32, #tpu.memory_space<hbm>> -> memref<64xi32, #tpu.memory_space<hbm>>
        tpu.wait_dma2 semaphore(%arg17 : memref<!tpu.dma_semaphore, #tpu.memory_space<semaphore_mem>>) src(%dma_wait3A_421 : memref<64xi32, #tpu.memory_space<hbm>>) dst(%arg11 : memref<64xi32, #tpu.memory_space<vmem>>)
        %dma_wait3A_422 = arith.constant 0 : i32
        %dma_wait3A_423 = tpu.memref_slice %arg4[%dma_wait3A_422] : memref<131072xi32, #tpu.memory_space<hbm>> -> memref<64xi32, #tpu.memory_space<hbm>>
        %dma_wait3A_424 = arith.constant 0 : i32
        %dma_wait3A_425 = tpu.memref_slice %arg4[%dma_wait3A_424] : memref<131072xi32, #tpu.memory_space<hbm>> -> memref<64xi32, #tpu.memory_space<hbm>>
        tpu.wait_dma2 semaphore(%arg17 : memref<!tpu.dma_semaphore, #tpu.memory_space<semaphore_mem>>) src(%dma_wait3A_425 : memref<64xi32, #tpu.memory_space<hbm>>) dst(%arg12 : memref<64xi32, #tpu.memory_space<vmem>>)
        %dma_start3A_426 = arith.constant 0 : i32
        %dma_start3A_427 = arith.constant 0 : i32
        %dma_start3A_428 = tpu.memref_slice %arg13[%dma_start3A_426, %dma_start3A_427] : memref<576x64xf32, #tpu.memory_space<vmem>> -> memref<128x64xf32, #tpu.memory_space<vmem>>
        %dma_start3A_429 = arith.constant 0 : i32
        %dma_start3A_430 = tpu.memref_slice %arg10[%dma_start3A_429] : memref<576xi32, #tpu.memory_space<vmem>> -> memref<128xi32, #tpu.memory_space<vmem>>
        %dma_start3A_431 = arith.constant 0 : i32
        %dma_start3A_432 = arith.constant 0 : i32
        %dma_start3A_433 = tpu.memref_slice %arg5[%dma_start3A_431, %dma_start3A_432] : memref<100000x64xf32, #tpu.memory_space<hbm>> -> memref<100000x64xf32, #tpu.memory_space<hbm>>
        tpu.enqueue_indirect_dma source(%dma_start3A_433 : memref<100000x64xf32, #tpu.memory_space<hbm>>) target(%dma_start3A_428 : memref<128x64xf32, #tpu.memory_space<vmem>>) offsets(%dma_start3A_430 : memref<128xi32, #tpu.memory_space<vmem>>) semaphore(%arg18 : memref<!tpu.dma_semaphore, #tpu.memory_space<semaphore_mem>>)
        %dma_start3A_434 = arith.constant 128 : i32
        %dma_start3A_435 = arith.constant 0 : i32
        %dma_start3A_436 = tpu.memref_slice %arg13[%dma_start3A_434, %dma_start3A_435] : memref<576x64xf32, #tpu.memory_space<vmem>> -> memref<128x64xf32, #tpu.memory_space<vmem>>
        %dma_start3A_437 = arith.constant 128 : i32
        %dma_start3A_438 = tpu.memref_slice %arg10[%dma_start3A_437] : memref<576xi32, #tpu.memory_space<vmem>> -> memref<128xi32, #tpu.memory_space<vmem>>
        %dma_start3A_439 = arith.constant 0 : i32
        %dma_start3A_440 = arith.constant 0 : i32
        %dma_start3A_441 = tpu.memref_slice %arg5[%dma_start3A_439, %dma_start3A_440] : memref<100000x64xf32, #tpu.memory_space<hbm>> -> memref<100000x64xf32, #tpu.memory_space<hbm>>
        tpu.enqueue_indirect_dma source(%dma_start3A_441 : memref<100000x64xf32, #tpu.memory_space<hbm>>) target(%dma_start3A_436 : memref<128x64xf32, #tpu.memory_space<vmem>>) offsets(%dma_start3A_438 : memref<128xi32, #tpu.memory_space<vmem>>) semaphore(%arg18 : memref<!tpu.dma_semaphore, #tpu.memory_space<semaphore_mem>>)
        %dma_start3A_442 = arith.constant 256 : i32
        %dma_start3A_443 = arith.constant 0 : i32
        %dma_start3A_444 = tpu.memref_slice %arg13[%dma_start3A_442, %dma_start3A_443] : memref<576x64xf32, #tpu.memory_space<vmem>> -> memref<128x64xf32, #tpu.memory_space<vmem>>
        %dma_start3A_445 = arith.constant 256 : i32
        %dma_start3A_446 = tpu.memref_slice %arg10[%dma_start3A_445] : memref<576xi32, #tpu.memory_space<vmem>> -> memref<128xi32, #tpu.memory_space<vmem>>
        %dma_start3A_447 = arith.constant 0 : i32
        %dma_start3A_448 = arith.constant 0 : i32
        %dma_start3A_449 = tpu.memref_slice %arg5[%dma_start3A_447, %dma_start3A_448] : memref<100000x64xf32, #tpu.memory_space<hbm>> -> memref<100000x64xf32, #tpu.memory_space<hbm>>
        tpu.enqueue_indirect_dma source(%dma_start3A_449 : memref<100000x64xf32, #tpu.memory_space<hbm>>) target(%dma_start3A_444 : memref<128x64xf32, #tpu.memory_space<vmem>>) offsets(%dma_start3A_446 : memref<128xi32, #tpu.memory_space<vmem>>) semaphore(%arg18 : memref<!tpu.dma_semaphore, #tpu.memory_space<semaphore_mem>>)
        %dma_start3A_450 = arith.constant 384 : i32
        %dma_start3A_451 = arith.constant 0 : i32
        %dma_start3A_452 = tpu.memref_slice %arg13[%dma_start3A_450, %dma_start3A_451] : memref<576x64xf32, #tpu.memory_space<vmem>> -> memref<128x64xf32, #tpu.memory_space<vmem>>
        %dma_start3A_453 = arith.constant 384 : i32
        %dma_start3A_454 = tpu.memref_slice %arg10[%dma_start3A_453] : memref<576xi32, #tpu.memory_space<vmem>> -> memref<128xi32, #tpu.memory_space<vmem>>
        %dma_start3A_455 = arith.constant 0 : i32
        %dma_start3A_456 = arith.constant 0 : i32
        %dma_start3A_457 = tpu.memref_slice %arg5[%dma_start3A_455, %dma_start3A_456] : memref<100000x64xf32, #tpu.memory_space<hbm>> -> memref<100000x64xf32, #tpu.memory_space<hbm>>
        tpu.enqueue_indirect_dma source(%dma_start3A_457 : memref<100000x64xf32, #tpu.memory_space<hbm>>) target(%dma_start3A_452 : memref<128x64xf32, #tpu.memory_space<vmem>>) offsets(%dma_start3A_454 : memref<128xi32, #tpu.memory_space<vmem>>) semaphore(%arg18 : memref<!tpu.dma_semaphore, #tpu.memory_space<semaphore_mem>>)
        %dma_start3A_458 = arith.constant 512 : i32
        %dma_start3A_459 = arith.constant 0 : i32
        %dma_start3A_460 = tpu.memref_slice %arg13[%dma_start3A_458, %dma_start3A_459] : memref<576x64xf32, #tpu.memory_space<vmem>> -> memref<64x64xf32, #tpu.memory_space<vmem>>
        %dma_start3A_461 = arith.constant 512 : i32
        %dma_start3A_462 = tpu.memref_slice %arg10[%dma_start3A_461] : memref<576xi32, #tpu.memory_space<vmem>> -> memref<64xi32, #tpu.memory_space<vmem>>
        %dma_start3A_463 = arith.constant 0 : i32
        %dma_start3A_464 = arith.constant 0 : i32
        %dma_start3A_465 = tpu.memref_slice %arg5[%dma_start3A_463, %dma_start3A_464] : memref<100000x64xf32, #tpu.memory_space<hbm>> -> memref<100000x64xf32, #tpu.memory_space<hbm>>
        tpu.enqueue_indirect_dma source(%dma_start3A_465 : memref<100000x64xf32, #tpu.memory_space<hbm>>) target(%dma_start3A_460 : memref<64x64xf32, #tpu.memory_space<vmem>>) offsets(%dma_start3A_462 : memref<64xi32, #tpu.memory_space<vmem>>) semaphore(%arg18 : memref<!tpu.dma_semaphore, #tpu.memory_space<semaphore_mem>>)
        %dma_start3A_466 = arith.constant 0 : i32
        %dma_start3A_467 = arith.constant 0 : i32
        %dma_start3A_468 = tpu.memref_slice %arg6[%dma_start3A_466, %dma_start3A_467] : memref<512x64xf32, #tpu.memory_space<hbm>> -> memref<512x64xf32, #tpu.memory_space<hbm>>
        tpu.enqueue_indirect_dma source(%dma_start3A_468 : memref<512x64xf32, #tpu.memory_space<hbm>>) target(%arg14 : memref<64x64xf32, #tpu.memory_space<vmem>>) offsets(%arg11 : memref<64xi32, #tpu.memory_space<vmem>>) semaphore(%arg18 : memref<!tpu.dma_semaphore, #tpu.memory_space<semaphore_mem>>)
        %dma_start3A_469 = arith.constant 0 : i32
        %dma_start3A_470 = arith.constant 0 : i32
        %dma_start3A_471 = tpu.memref_slice %arg7[%dma_start3A_469, %dma_start3A_470] : memref<5120x64xf32, #tpu.memory_space<hbm>> -> memref<5120x64xf32, #tpu.memory_space<hbm>>
        tpu.enqueue_indirect_dma source(%dma_start3A_471 : memref<5120x64xf32, #tpu.memory_space<hbm>>) target(%arg15 : memref<64x64xf32, #tpu.memory_space<vmem>>) offsets(%arg12 : memref<64xi32, #tpu.memory_space<vmem>>) semaphore(%arg18 : memref<!tpu.dma_semaphore, #tpu.memory_space<semaphore_mem>>)
      } else {
      }
      %dma_wait3A_311 = arith.constant 0 : i32
      %dma_wait3A_312 = arith.constant 0 : i32
      %dma_wait3A_313 = tpu.memref_slice %arg23[%dma_wait3A_311, %dma_wait3A_312] : memref<576x64xf32, #tpu.memory_space<vmem>> -> memref<128x64xf32, #tpu.memory_space<vmem>>
      %dma_wait3A_314 = arith.constant 0 : i32
      %dma_wait3A_315 = tpu.memref_slice %arg20[%dma_wait3A_314] : memref<576xi32, #tpu.memory_space<vmem>> -> memref<128xi32, #tpu.memory_space<vmem>>
      %dma_wait3A_316 = arith.constant 0 : i32
      %dma_wait3A_317 = arith.constant 0 : i32
      %dma_wait3A_318 = tpu.memref_slice %arg5[%dma_wait3A_316, %dma_wait3A_317] : memref<100000x64xf32, #tpu.memory_space<hbm>> -> memref<100000x64xf32, #tpu.memory_space<hbm>>
      tpu.wait_indirect_dma semaphore(%arg28 : memref<!tpu.dma_semaphore, #tpu.memory_space<semaphore_mem>>) src(%dma_wait3A_318 : memref<100000x64xf32, #tpu.memory_space<hbm>>) dst(%dma_wait3A_313 : memref<128x64xf32, #tpu.memory_space<vmem>>)
      %dma_wait3A_319 = arith.constant 128 : i32
      %dma_wait3A_320 = arith.constant 0 : i32
      %dma_wait3A_321 = tpu.memref_slice %arg23[%dma_wait3A_319, %dma_wait3A_320] : memref<576x64xf32, #tpu.memory_space<vmem>> -> memref<128x64xf32, #tpu.memory_space<vmem>>
      %dma_wait3A_322 = arith.constant 128 : i32
      %dma_wait3A_323 = tpu.memref_slice %arg20[%dma_wait3A_322] : memref<576xi32, #tpu.memory_space<vmem>> -> memref<128xi32, #tpu.memory_space<vmem>>
      %dma_wait3A_324 = arith.constant 0 : i32
      %dma_wait3A_325 = arith.constant 0 : i32
      %dma_wait3A_326 = tpu.memref_slice %arg5[%dma_wait3A_324, %dma_wait3A_325] : memref<100000x64xf32, #tpu.memory_space<hbm>> -> memref<100000x64xf32, #tpu.memory_space<hbm>>
      tpu.wait_indirect_dma semaphore(%arg28 : memref<!tpu.dma_semaphore, #tpu.memory_space<semaphore_mem>>) src(%dma_wait3A_326 : memref<100000x64xf32, #tpu.memory_space<hbm>>) dst(%dma_wait3A_321 : memref<128x64xf32, #tpu.memory_space<vmem>>)
      %dma_wait3A_327 = arith.constant 256 : i32
      %dma_wait3A_328 = arith.constant 0 : i32
      %dma_wait3A_329 = tpu.memref_slice %arg23[%dma_wait3A_327, %dma_wait3A_328] : memref<576x64xf32, #tpu.memory_space<vmem>> -> memref<128x64xf32, #tpu.memory_space<vmem>>
      %dma_wait3A_330 = arith.constant 256 : i32
      %dma_wait3A_331 = tpu.memref_slice %arg20[%dma_wait3A_330] : memref<576xi32, #tpu.memory_space<vmem>> -> memref<128xi32, #tpu.memory_space<vmem>>
      %dma_wait3A_332 = arith.constant 0 : i32
      %dma_wait3A_333 = arith.constant 0 : i32
      %dma_wait3A_334 = tpu.memref_slice %arg5[%dma_wait3A_332, %dma_wait3A_333] : memref<100000x64xf32, #tpu.memory_space<hbm>> -> memref<100000x64xf32, #tpu.memory_space<hbm>>
      tpu.wait_indirect_dma semaphore(%arg28 : memref<!tpu.dma_semaphore, #tpu.memory_space<semaphore_mem>>) src(%dma_wait3A_334 : memref<100000x64xf32, #tpu.memory_space<hbm>>) dst(%dma_wait3A_329 : memref<128x64xf32, #tpu.memory_space<vmem>>)
      %dma_wait3A_335 = arith.constant 384 : i32
      %dma_wait3A_336 = arith.constant 0 : i32
      %dma_wait3A_337 = tpu.memref_slice %arg23[%dma_wait3A_335, %dma_wait3A_336] : memref<576x64xf32, #tpu.memory_space<vmem>> -> memref<128x64xf32, #tpu.memory_space<vmem>>
      %dma_wait3A_338 = arith.constant 384 : i32
      %dma_wait3A_339 = tpu.memref_slice %arg20[%dma_wait3A_338] : memref<576xi32, #tpu.memory_space<vmem>> -> memref<128xi32, #tpu.memory_space<vmem>>
      %dma_wait3A_340 = arith.constant 0 : i32
      %dma_wait3A_341 = arith.constant 0 : i32
      %dma_wait3A_342 = tpu.memref_slice %arg5[%dma_wait3A_340, %dma_wait3A_341] : memref<100000x64xf32, #tpu.memory_space<hbm>> -> memref<100000x64xf32, #tpu.memory_space<hbm>>
      tpu.wait_indirect_dma semaphore(%arg28 : memref<!tpu.dma_semaphore, #tpu.memory_space<semaphore_mem>>) src(%dma_wait3A_342 : memref<100000x64xf32, #tpu.memory_space<hbm>>) dst(%dma_wait3A_337 : memref<128x64xf32, #tpu.memory_space<vmem>>)
      %dma_wait3A_343 = arith.constant 512 : i32
      %dma_wait3A_344 = arith.constant 0 : i32
      %dma_wait3A_345 = tpu.memref_slice %arg23[%dma_wait3A_343, %dma_wait3A_344] : memref<576x64xf32, #tpu.memory_space<vmem>> -> memref<64x64xf32, #tpu.memory_space<vmem>>
      %dma_wait3A_346 = arith.constant 512 : i32
      %dma_wait3A_347 = tpu.memref_slice %arg20[%dma_wait3A_346] : memref<576xi32, #tpu.memory_space<vmem>> -> memref<64xi32, #tpu.memory_space<vmem>>
      %dma_wait3A_348 = arith.constant 0 : i32
      %dma_wait3A_349 = arith.constant 0 : i32
      %dma_wait3A_350 = tpu.memref_slice %arg5[%dma_wait3A_348, %dma_wait3A_349] : memref<100000x64xf32, #tpu.memory_space<hbm>> -> memref<100000x64xf32, #tpu.memory_space<hbm>>
      tpu.wait_indirect_dma semaphore(%arg28 : memref<!tpu.dma_semaphore, #tpu.memory_space<semaphore_mem>>) src(%dma_wait3A_350 : memref<100000x64xf32, #tpu.memory_space<hbm>>) dst(%dma_wait3A_345 : memref<64x64xf32, #tpu.memory_space<vmem>>)
      %dma_wait3A_351 = arith.constant 0 : i32
      %dma_wait3A_352 = arith.constant 0 : i32
      %dma_wait3A_353 = tpu.memref_slice %arg6[%dma_wait3A_351, %dma_wait3A_352] : memref<512x64xf32, #tpu.memory_space<hbm>> -> memref<512x64xf32, #tpu.memory_space<hbm>>
      tpu.wait_indirect_dma semaphore(%arg28 : memref<!tpu.dma_semaphore, #tpu.memory_space<semaphore_mem>>) src(%dma_wait3A_353 : memref<512x64xf32, #tpu.memory_space<hbm>>) dst(%arg24 : memref<64x64xf32, #tpu.memory_space<vmem>>)
      %dma_wait3A_354 = arith.constant 0 : i32
      %dma_wait3A_355 = arith.constant 0 : i32
      %dma_wait3A_356 = tpu.memref_slice %arg7[%dma_wait3A_354, %dma_wait3A_355] : memref<5120x64xf32, #tpu.memory_space<hbm>> -> memref<5120x64xf32, #tpu.memory_space<hbm>>
      tpu.wait_indirect_dma semaphore(%arg28 : memref<!tpu.dma_semaphore, #tpu.memory_space<semaphore_mem>>) src(%dma_wait3A_356 : memref<5120x64xf32, #tpu.memory_space<hbm>>) dst(%arg25 : memref<64x64xf32, #tpu.memory_space<vmem>>)
      %lt3A_357 = arith.constant 31 : i32
      %lt3A_358 = arith.cmpi slt, %scan3A_156, %lt3A_357 : i32
      %convert_element_type3A_359 = arith.extui %lt3A_358 : i1 to i32
      %cond3A_360 = arith.constant 0 : i32
      %cond3A_361 = arith.cmpi ne, %convert_element_type3A_359, %cond3A_360 : i32
      scf.if %cond3A_361 {
        %add3A_414 = arith.constant 2 : i32
        %add3A_415 = arith.addi %add3A_162, %add3A_414 : i32
        %mul3A_416 = arith.constant 32 : i32
        %mul3A_417 = arith.muli %add3A, %mul3A_416 : i32
        %jit3A_418 = arith.constant 2 : i32
        %div3A_419 = arith.divsi %add3A_415, %jit3A_418 : i32
        %sign3A_420 = arith.constant 0 : i32
        %sign3A_421 = arith.cmpi sgt, %add3A_415, %sign3A_420 : i32
        %sign3A_422 = arith.extui %sign3A_421 : i1 to i32
        %sign3A_423 = arith.constant 0 : i32
        %sign3A_424 = arith.cmpi slt, %add3A_415, %sign3A_423 : i32
        %sign3A_425 = arith.extui %sign3A_424 : i1 to i32
        %sign3A_426 = arith.subi %sign3A_422, %sign3A_425 : i32
        %sign3A_427 = arith.constant 0 : i32
        %sign3A_428 = arith.cmpi sgt, %jit3A_418, %sign3A_427 : i32
        %sign3A_429 = arith.extui %sign3A_428 : i1 to i32
        %sign3A_430 = arith.constant 0 : i32
        %sign3A_431 = arith.cmpi slt, %jit3A_418, %sign3A_430 : i32
        %sign3A_432 = arith.extui %sign3A_431 : i1 to i32
        %sign3A_433 = arith.subi %sign3A_429, %sign3A_432 : i32
        %ne3A_434 = arith.cmpi ne, %sign3A_426, %sign3A_433 : i32
        %rem3A_435 = arith.remsi %add3A_415, %jit3A_418 : i32
        %ne3A_436 = arith.constant 0 : i32
        %ne3A_437 = arith.cmpi ne, %rem3A_435, %ne3A_436 : i32
        %and3A_438 = arith.andi %ne3A_434, %ne3A_437 : i1
        %sub3A_439 = arith.constant 1 : i32
        %sub3A_440 = arith.subi %div3A_419, %sub3A_439 : i32
        %select_n3A_441 = arith.select %and3A_438, %sub3A_440, %div3A_419 : i32
        %add3A_442 = arith.addi %mul3A_417, %select_n3A_441 : i32
        %jit3A_443 = arith.constant 2 : i32
        %eq3A = arith.constant 0 : i32
        %eq3A_444 = arith.cmpi eq, %jit3A_443, %eq3A : i32
        %jit3A_445 = arith.constant 1 : i32
        %select_n3A_446 = arith.select %eq3A_444, %jit3A_445, %jit3A_443 : i32
        %rem3A_447 = arith.remsi %add3A_415, %select_n3A_446 : i32
        %ne3A_448 = arith.constant 0 : i32
        %ne3A_449 = arith.cmpi ne, %rem3A_447, %ne3A_448 : i32
        %lt3A_450 = arith.constant 0 : i32
        %lt3A_451 = arith.cmpi slt, %rem3A_447, %lt3A_450 : i32
        %lt3A_452 = arith.constant 0 : i32
        %lt3A_453 = arith.cmpi slt, %select_n3A_446, %lt3A_452 : i32
        %ne3A_454 = arith.xori %lt3A_451, %lt3A_453 : i1
        %and3A_455 = arith.andi %ne3A_454, %ne3A_449 : i1
        %add3A_456 = arith.addi %rem3A_447, %select_n3A_446 : i32
        %select_n3A_457 = arith.select %and3A_455, %add3A_456, %rem3A_447 : i32
        %mul3A_458 = arith.constant 1152 : i32
        %mul3A_459 = arith.muli %add3A_442, %mul3A_458 : i32
        %mul3A_460 = arith.constant 576 : i32
        %mul3A_461 = arith.muli %select_n3A_457, %mul3A_460 : i32
        %add3A_462 = arith.addi %mul3A_459, %mul3A_461 : i32
        %mul3A_463 = arith.constant 128 : i32
        %mul3A_464 = arith.muli %add3A_442, %mul3A_463 : i32
        %mul3A_465 = arith.constant 64 : i32
        %mul3A_466 = arith.muli %select_n3A_457, %mul3A_465 : i32
        %add3A_467 = arith.addi %mul3A_464, %mul3A_466 : i32
        %dma_start3A_468 = tpu.memref_slice %arg2[%add3A_462] : memref<1179648xi32, #tpu.memory_space<hbm>> -> memref<576xi32, #tpu.memory_space<hbm>>
        %dma_start3A_469 = tpu.memref_slice %arg2[%add3A_462] : memref<1179648xi32, #tpu.memory_space<hbm>> -> memref<576xi32, #tpu.memory_space<hbm>>
        tpu.enqueue_dma source(%dma_start3A_469 : memref<576xi32, #tpu.memory_space<hbm>>) target(%arg20 : memref<576xi32, #tpu.memory_space<vmem>>) target_semaphore(%arg27 : memref<!tpu.dma_semaphore, #tpu.memory_space<semaphore_mem>>)
        %dma_start3A_470 = tpu.memref_slice %arg3[%add3A_467] : memref<131072xi32, #tpu.memory_space<hbm>> -> memref<64xi32, #tpu.memory_space<hbm>>
        %dma_start3A_471 = tpu.memref_slice %arg3[%add3A_467] : memref<131072xi32, #tpu.memory_space<hbm>> -> memref<64xi32, #tpu.memory_space<hbm>>
        tpu.enqueue_dma source(%dma_start3A_471 : memref<64xi32, #tpu.memory_space<hbm>>) target(%arg21 : memref<64xi32, #tpu.memory_space<vmem>>) target_semaphore(%arg27 : memref<!tpu.dma_semaphore, #tpu.memory_space<semaphore_mem>>)
        %dma_start3A_472 = tpu.memref_slice %arg4[%add3A_467] : memref<131072xi32, #tpu.memory_space<hbm>> -> memref<64xi32, #tpu.memory_space<hbm>>
        %dma_start3A_473 = tpu.memref_slice %arg4[%add3A_467] : memref<131072xi32, #tpu.memory_space<hbm>> -> memref<64xi32, #tpu.memory_space<hbm>>
        tpu.enqueue_dma source(%dma_start3A_473 : memref<64xi32, #tpu.memory_space<hbm>>) target(%arg22 : memref<64xi32, #tpu.memory_space<vmem>>) target_semaphore(%arg27 : memref<!tpu.dma_semaphore, #tpu.memory_space<semaphore_mem>>)
      } else {
      }
      %mul3A_362 = arith.constant 32 : i32
      %mul3A_363 = arith.muli %add3A, %mul3A_362 : i32
      %jit3A_364 = arith.constant 2 : i32
      %div3A_365 = arith.divsi %add3A_162, %jit3A_364 : i32
      %sign3A_366 = arith.constant 0 : i32
      %sign3A_367 = arith.cmpi sgt, %add3A_162, %sign3A_366 : i32
      %sign3A_368 = arith.extui %sign3A_367 : i1 to i32
      %sign3A_369 = arith.constant 0 : i32
      %sign3A_370 = arith.cmpi slt, %add3A_162, %sign3A_369 : i32
      %sign3A_371 = arith.extui %sign3A_370 : i1 to i32
      %sign3A_372 = arith.subi %sign3A_368, %sign3A_371 : i32
      %sign3A_373 = arith.constant 0 : i32
      %sign3A_374 = arith.cmpi sgt, %jit3A_364, %sign3A_373 : i32
      %sign3A_375 = arith.extui %sign3A_374 : i1 to i32
      %sign3A_376 = arith.constant 0 : i32
      %sign3A_377 = arith.cmpi slt, %jit3A_364, %sign3A_376 : i32
      %sign3A_378 = arith.extui %sign3A_377 : i1 to i32
      %sign3A_379 = arith.subi %sign3A_375, %sign3A_378 : i32
      %ne3A_380 = arith.cmpi ne, %sign3A_372, %sign3A_379 : i32
      %rem3A_381 = arith.remsi %add3A_162, %jit3A_364 : i32
      %ne3A_382 = arith.constant 0 : i32
      %ne3A_383 = arith.cmpi ne, %rem3A_381, %ne3A_382 : i32
      %and3A_384 = arith.andi %ne3A_380, %ne3A_383 : i1
      %sub3A_385 = arith.constant 1 : i32
      %sub3A_386 = arith.subi %div3A_365, %sub3A_385 : i32
      %select_n3A_387 = arith.select %and3A_384, %sub3A_386, %div3A_365 : i32
      %add3A_388 = arith.addi %mul3A_363, %select_n3A_387 : i32
      %gt3A_389 = arith.constant 0 : i32
      %gt3A_390 = arith.cmpi sgt, %scan3A_156, %gt3A_389 : i32
      %convert_element_type3A_391 = arith.extui %gt3A_390 : i1 to i32
      %cond3A_392 = arith.constant 0 : i32
      %cond3A_393 = arith.cmpi ne, %convert_element_type3A_391, %cond3A_392 : i32
      scf.if %cond3A_393 {
        %dma_wait3A_414 = arith.constant 0 : i32
        %dma_wait3A_415 = arith.constant 0 : i32
        %dma_wait3A_416 = arith.constant 0 : i32
        %dma_wait3A_417 = tpu.memref_slice %arg26[%dma_wait3A_415, %dma_wait3A_416] : memref<65x64xf32, #tpu.memory_space<vmem>> -> memref<64x64xf32, #tpu.memory_space<vmem>>
        %dma_wait3A_418 = arith.constant 65 : i32
        %dma_wait3A_419 = arith.constant 0 : i32
        %dma_wait3A_420 = tpu.memref_slice %arg9[%dma_wait3A_414, %dma_wait3A_418, %dma_wait3A_419] : memref<1024x129x64xf32, #tpu.memory_space<hbm>> -> memref<1x64x64xf32, #tpu.memory_space<hbm>>
        %dma_wait3A_421 = tpu.memref_squeeze %dma_wait3A_420 : memref<1x64x64xf32, #tpu.memory_space<hbm>> -> memref<64x64xf32, #tpu.memory_space<hbm>>
        %dma_wait3A_422 = arith.constant 65 : i32
        %dma_wait3A_423 = arith.constant 0 : i32
        %dma_wait3A_424 = tpu.memref_slice %arg9[%dma_wait3A_414, %dma_wait3A_422, %dma_wait3A_423] : memref<1024x129x64xf32, #tpu.memory_space<hbm>> -> memref<1x64x64xf32, #tpu.memory_space<hbm>>
        %dma_wait3A_425 = tpu.memref_squeeze %dma_wait3A_424 : memref<1x64x64xf32, #tpu.memory_space<hbm>> -> memref<64x64xf32, #tpu.memory_space<hbm>>
        %dma_wait3A_426 = arith.constant 0 : i32
        %dma_wait3A_427 = arith.constant 0 : i32
        %dma_wait3A_428 = tpu.memref_slice %arg26[%dma_wait3A_426, %dma_wait3A_427] : memref<65x64xf32, #tpu.memory_space<vmem>> -> memref<64x64xf32, #tpu.memory_space<vmem>>
        tpu.wait_dma2 semaphore(%arg29 : memref<!tpu.dma_semaphore, #tpu.memory_space<semaphore_mem>>) src(%dma_wait3A_428 : memref<64x64xf32, #tpu.memory_space<vmem>>) dst(%dma_wait3A_425 : memref<64x64xf32, #tpu.memory_space<hbm>>)
      } else {
      }
      %scan3A_394 = arith.constant 0 : i32
      %scan3A_395 = arith.constant 0 : i32
      %scan3A_396 = arith.constant 64 : i32
      %scan3A_397 = arith.addi %scan3A_395, %scan3A_396 : i32
      %scan3A_398 = arith.constant 1 : i32
      scf.for %scan3A_414 = %scan3A_395 to %scan3A_397 step %scan3A_398  : i32 {
        %get3A_415 = arith.index_cast %scan3A_414 : i32 to index
        %get3A_416 = arith.constant 0 : index
        %get3A_417 = tpu.vector_load %arg24[%get3A_415, %get3A_416] {strides = array<i32>} : memref<64x64xf32, #tpu.memory_space<vmem>>, vector<1x16xf32>,
        %get3A_418 = vector.shape_cast %get3A_417 : vector<1x16xf32> to vector<16xf32>
        %get3A_419 = arith.index_cast %scan3A_414 : i32 to index
        %get3A_420 = arith.constant 0 : index
        %get3A_421 = tpu.vector_load %arg25[%get3A_419, %get3A_420] {strides = array<i32>} : memref<64x64xf32, #tpu.memory_space<vmem>>, vector<1x16xf32>,
        %get3A_422 = vector.shape_cast %get3A_421 : vector<1x16xf32> to vector<16xf32>
        %add3A_423 = arith.addf %get3A_418, %get3A_422 : vector<16xf32>
        %mul3A_424 = arith.constant 9 : i32
        %mul3A_425 = arith.muli %scan3A_414, %mul3A_424 : i32
        %add3A_426 = arith.constant 0 : i32
        %add3A_427 = arith.addi %mul3A_425, %add3A_426 : i32
        %get3A_428 = arith.index_cast %add3A_427 : i32 to index
        %get3A_429 = arith.constant 0 : index
        %get3A_430 = tpu.vector_load %arg23[%get3A_428, %get3A_429] {strides = array<i32>} : memref<576x64xf32, #tpu.memory_space<vmem>>, vector<1x16xf32>,
        %get3A_431 = vector.shape_cast %get3A_430 : vector<1x16xf32> to vector<16xf32>
        %add3A_432 = arith.addf %add3A_423, %get3A_431 : vector<16xf32>
        %mul3A_433 = arith.constant 9 : i32
        %mul3A_434 = arith.muli %scan3A_414, %mul3A_433 : i32
        %add3A_435 = arith.constant 1 : i32
        %add3A_436 = arith.addi %mul3A_434, %add3A_435 : i32
        %get3A_437 = arith.index_cast %add3A_436 : i32 to index
        %get3A_438 = arith.constant 0 : index
        %get3A_439 = tpu.vector_load %arg23[%get3A_437, %get3A_438] {strides = array<i32>} : memref<576x64xf32, #tpu.memory_space<vmem>>, vector<1x16xf32>,
        %get3A_440 = vector.shape_cast %get3A_439 : vector<1x16xf32> to vector<16xf32>
        %add3A_441 = arith.addf %add3A_432, %get3A_440 : vector<16xf32>
        %mul3A_442 = arith.constant 9 : i32
        %mul3A_443 = arith.muli %scan3A_414, %mul3A_442 : i32
        %add3A_444 = arith.constant 2 : i32
        %add3A_445 = arith.addi %mul3A_443, %add3A_444 : i32
        %get3A_446 = arith.index_cast %add3A_445 : i32 to index
        %get3A_447 = arith.constant 0 : index
        %get3A_448 = tpu.vector_load %arg23[%get3A_446, %get3A_447] {strides = array<i32>} : memref<576x64xf32, #tpu.memory_space<vmem>>, vector<1x16xf32>,
        %get3A_449 = vector.shape_cast %get3A_448 : vector<1x16xf32> to vector<16xf32>
        %add3A_450 = arith.addf %add3A_441, %get3A_449 : vector<16xf32>
        %mul3A_451 = arith.constant 9 : i32
        %mul3A_452 = arith.muli %scan3A_414, %mul3A_451 : i32
        %add3A_453 = arith.constant 3 : i32
        %add3A_454 = arith.addi %mul3A_452, %add3A_453 : i32
        %get3A_455 = arith.index_cast %add3A_454 : i32 to index
        %get3A_456 = arith.constant 0 : index
        %get3A_457 = tpu.vector_load %arg23[%get3A_455, %get3A_456] {strides = array<i32>} : memref<576x64xf32, #tpu.memory_space<vmem>>, vector<1x16xf32>,
        %get3A_458 = vector.shape_cast %get3A_457 : vector<1x16xf32> to vector<16xf32>
        %add3A_459 = arith.addf %add3A_450, %get3A_458 : vector<16xf32>
        %mul3A_460 = arith.constant 9 : i32
        %mul3A_461 = arith.muli %scan3A_414, %mul3A_460 : i32
        %add3A_462 = arith.constant 4 : i32
        %add3A_463 = arith.addi %mul3A_461, %add3A_462 : i32
        %get3A_464 = arith.index_cast %add3A_463 : i32 to index
        %get3A_465 = arith.constant 0 : index
        %get3A_466 = tpu.vector_load %arg23[%get3A_464, %get3A_465] {strides = array<i32>} : memref<576x64xf32, #tpu.memory_space<vmem>>, vector<1x16xf32>,
        %get3A_467 = vector.shape_cast %get3A_466 : vector<1x16xf32> to vector<16xf32>
        %add3A_468 = arith.addf %add3A_459, %get3A_467 : vector<16xf32>
        %mul3A_469 = arith.constant 9 : i32
        %mul3A_470 = arith.muli %scan3A_414, %mul3A_469 : i32
        %add3A_471 = arith.constant 5 : i32
        %add3A_472 = arith.addi %mul3A_470, %add3A_471 : i32
        %get3A_473 = arith.index_cast %add3A_472 : i32 to index
        %get3A_474 = arith.constant 0 : index
        %get3A_475 = tpu.vector_load %arg23[%get3A_473, %get3A_474] {strides = array<i32>} : memref<576x64xf32, #tpu.memory_space<vmem>>, vector<1x16xf32>,
        %get3A_476 = vector.shape_cast %get3A_475 : vector<1x16xf32> to vector<16xf32>
        %add3A_477 = arith.addf %add3A_468, %get3A_476 : vector<16xf32>
        %mul3A_478 = arith.constant 9 : i32
        %mul3A_479 = arith.muli %scan3A_414, %mul3A_478 : i32
        %add3A_480 = arith.constant 6 : i32
        %add3A_481 = arith.addi %mul3A_479, %add3A_480 : i32
        %get3A_482 = arith.index_cast %add3A_481 : i32 to index
        %get3A_483 = arith.constant 0 : index
        %get3A_484 = tpu.vector_load %arg23[%get3A_482, %get3A_483] {strides = array<i32>} : memref<576x64xf32, #tpu.memory_space<vmem>>, vector<1x16xf32>,
        %get3A_485 = vector.shape_cast %get3A_484 : vector<1x16xf32> to vector<16xf32>
        %add3A_486 = arith.addf %add3A_477, %get3A_485 : vector<16xf32>
        %mul3A_487 = arith.constant 9 : i32
        %mul3A_488 = arith.muli %scan3A_414, %mul3A_487 : i32
        %add3A_489 = arith.constant 7 : i32
        %add3A_490 = arith.addi %mul3A_488, %add3A_489 : i32
        %get3A_491 = arith.index_cast %add3A_490 : i32 to index
        %get3A_492 = arith.constant 0 : index
        %get3A_493 = tpu.vector_load %arg23[%get3A_491, %get3A_492] {strides = array<i32>} : memref<576x64xf32, #tpu.memory_space<vmem>>, vector<1x16xf32>,
        %get3A_494 = vector.shape_cast %get3A_493 : vector<1x16xf32> to vector<16xf32>
        %add3A_495 = arith.addf %add3A_486, %get3A_494 : vector<16xf32>
        %mul3A_496 = arith.constant 9 : i32
        %mul3A_497 = arith.muli %scan3A_414, %mul3A_496 : i32
        %add3A_498 = arith.constant 8 : i32
        %add3A_499 = arith.addi %mul3A_497, %add3A_498 : i32
        %get3A_500 = arith.index_cast %add3A_499 : i32 to index
        %get3A_501 = arith.constant 0 : index
        %get3A_502 = tpu.vector_load %arg23[%get3A_500, %get3A_501] {strides = array<i32>} : memref<576x64xf32, #tpu.memory_space<vmem>>, vector<1x16xf32>,
        %get3A_503 = vector.shape_cast %get3A_502 : vector<1x16xf32> to vector<16xf32>
        %add3A_504 = arith.addf %add3A_495, %get3A_503 : vector<16xf32>
        %add3A_505 = arith.constant 0 : i32
        %add3A_506 = arith.addi %scan3A_414, %add3A_505 : i32
        %swap3A_507 = arith.index_cast %add3A_506 : i32 to index
        %swap3A_508 = arith.constant 0 : index
        %swap3A_509 = tpu.vector_load %arg26[%swap3A_507, %swap3A_508] {strides = array<i32>} : memref<65x64xf32, #tpu.memory_space<vmem>>, vector<1x16xf32>,
        %swap3A_510 = vector.shape_cast %swap3A_509 : vector<1x16xf32> to vector<16xf32>
        %swap3A_511 = vector.shape_cast %add3A_504 : vector<16xf32> to vector<1x16xf32>
        tpu.vector_store %arg26[%swap3A_507, %swap3A_508], %swap3A_511 {strides = array<i32>} : memref<65x64xf32, #tpu.memory_space<vmem>>, vector<1x16xf32>,
        %get3A_512 = arith.index_cast %scan3A_414 : i32 to index
        %get3A_513 = arith.constant 16 : index
        %get3A_514 = tpu.vector_load %arg24[%get3A_512, %get3A_513] {strides = array<i32>} : memref<64x64xf32, #tpu.memory_space<vmem>>, vector<1x16xf32>,
        %get3A_515 = vector.shape_cast %get3A_514 : vector<1x16xf32> to vector<16xf32>
        %get3A_516 = arith.index_cast %scan3A_414 : i32 to index
        %get3A_517 = arith.constant 16 : index
        %get3A_518 = tpu.vector_load %arg25[%get3A_516, %get3A_517] {strides = array<i32>} : memref<64x64xf32, #tpu.memory_space<vmem>>, vector<1x16xf32>,
        %get3A_519 = vector.shape_cast %get3A_518 : vector<1x16xf32> to vector<16xf32>
        %add3A_520 = arith.addf %get3A_515, %get3A_519 : vector<16xf32>
        %mul3A_521 = arith.constant 9 : i32
        %mul3A_522 = arith.muli %scan3A_414, %mul3A_521 : i32
        %add3A_523 = arith.constant 0 : i32
        %add3A_524 = arith.addi %mul3A_522, %add3A_523 : i32
        %get3A_525 = arith.index_cast %add3A_524 : i32 to index
        %get3A_526 = arith.constant 16 : index
        %get3A_527 = tpu.vector_load %arg23[%get3A_525, %get3A_526] {strides = array<i32>} : memref<576x64xf32, #tpu.memory_space<vmem>>, vector<1x16xf32>,
        %get3A_528 = vector.shape_cast %get3A_527 : vector<1x16xf32> to vector<16xf32>
        %add3A_529 = arith.addf %add3A_520, %get3A_528 : vector<16xf32>
        %mul3A_530 = arith.constant 9 : i32
        %mul3A_531 = arith.muli %scan3A_414, %mul3A_530 : i32
        %add3A_532 = arith.constant 1 : i32
        %add3A_533 = arith.addi %mul3A_531, %add3A_532 : i32
        %get3A_534 = arith.index_cast %add3A_533 : i32 to index
        %get3A_535 = arith.constant 16 : index
        %get3A_536 = tpu.vector_load %arg23[%get3A_534, %get3A_535] {strides = array<i32>} : memref<576x64xf32, #tpu.memory_space<vmem>>, vector<1x16xf32>,
        %get3A_537 = vector.shape_cast %get3A_536 : vector<1x16xf32> to vector<16xf32>
        %add3A_538 = arith.addf %add3A_529, %get3A_537 : vector<16xf32>
        %mul3A_539 = arith.constant 9 : i32
        %mul3A_540 = arith.muli %scan3A_414, %mul3A_539 : i32
        %add3A_541 = arith.constant 2 : i32
        %add3A_542 = arith.addi %mul3A_540, %add3A_541 : i32
        %get3A_543 = arith.index_cast %add3A_542 : i32 to index
        %get3A_544 = arith.constant 16 : index
        %get3A_545 = tpu.vector_load %arg23[%get3A_543, %get3A_544] {strides = array<i32>} : memref<576x64xf32, #tpu.memory_space<vmem>>, vector<1x16xf32>,
        %get3A_546 = vector.shape_cast %get3A_545 : vector<1x16xf32> to vector<16xf32>
        %add3A_547 = arith.addf %add3A_538, %get3A_546 : vector<16xf32>
        %mul3A_548 = arith.constant 9 : i32
        %mul3A_549 = arith.muli %scan3A_414, %mul3A_548 : i32
        %add3A_550 = arith.constant 3 : i32
        %add3A_551 = arith.addi %mul3A_549, %add3A_550 : i32
        %get3A_552 = arith.index_cast %add3A_551 : i32 to index
        %get3A_553 = arith.constant 16 : index
        %get3A_554 = tpu.vector_load %arg23[%get3A_552, %get3A_553] {strides = array<i32>} : memref<576x64xf32, #tpu.memory_space<vmem>>, vector<1x16xf32>,
        %get3A_555 = vector.shape_cast %get3A_554 : vector<1x16xf32> to vector<16xf32>
        %add3A_556 = arith.addf %add3A_547, %get3A_555 : vector<16xf32>
        %mul3A_557 = arith.constant 9 : i32
        %mul3A_558 = arith.muli %scan3A_414, %mul3A_557 : i32
        %add3A_559 = arith.constant 4 : i32
        %add3A_560 = arith.addi %mul3A_558, %add3A_559 : i32
        %get3A_561 = arith.index_cast %add3A_560 : i32 to index
        %get3A_562 = arith.constant 16 : index
        %get3A_563 = tpu.vector_load %arg23[%get3A_561, %get3A_562] {strides = array<i32>} : memref<576x64xf32, #tpu.memory_space<vmem>>, vector<1x16xf32>,
        %get3A_564 = vector.shape_cast %get3A_563 : vector<1x16xf32> to vector<16xf32>
        %add3A_565 = arith.addf %add3A_556, %get3A_564 : vector<16xf32>
        %mul3A_566 = arith.constant 9 : i32
        %mul3A_567 = arith.muli %scan3A_414, %mul3A_566 : i32
        %add3A_568 = arith.constant 5 : i32
        %add3A_569 = arith.addi %mul3A_567, %add3A_568 : i32
        %get3A_570 = arith.index_cast %add3A_569 : i32 to index
        %get3A_571 = arith.constant 16 : index
        %get3A_572 = tpu.vector_load %arg23[%get3A_570, %get3A_571] {strides = array<i32>} : memref<576x64xf32, #tpu.memory_space<vmem>>, vector<1x16xf32>,
        %get3A_573 = vector.shape_cast %get3A_572 : vector<1x16xf32> to vector<16xf32>
        %add3A_574 = arith.addf %add3A_565, %get3A_573 : vector<16xf32>
        %mul3A_575 = arith.constant 9 : i32
        %mul3A_576 = arith.muli %scan3A_414, %mul3A_575 : i32
        %add3A_577 = arith.constant 6 : i32
        %add3A_578 = arith.addi %mul3A_576, %add3A_577 : i32
        %get3A_579 = arith.index_cast %add3A_578 : i32 to index
        %get3A_580 = arith.constant 16 : index
        %get3A_581 = tpu.vector_load %arg23[%get3A_579, %get3A_580] {strides = array<i32>} : memref<576x64xf32, #tpu.memory_space<vmem>>, vector<1x16xf32>,
        %get3A_582 = vector.shape_cast %get3A_581 : vector<1x16xf32> to vector<16xf32>
        %add3A_583 = arith.addf %add3A_574, %get3A_582 : vector<16xf32>
        %mul3A_584 = arith.constant 9 : i32
        %mul3A_585 = arith.muli %scan3A_414, %mul3A_584 : i32
        %add3A_586 = arith.constant 7 : i32
        %add3A_587 = arith.addi %mul3A_585, %add3A_586 : i32
        %get3A_588 = arith.index_cast %add3A_587 : i32 to index
        %get3A_589 = arith.constant 16 : index
        %get3A_590 = tpu.vector_load %arg23[%get3A_588, %get3A_589] {strides = array<i32>} : memref<576x64xf32, #tpu.memory_space<vmem>>, vector<1x16xf32>,
        %get3A_591 = vector.shape_cast %get3A_590 : vector<1x16xf32> to vector<16xf32>
        %add3A_592 = arith.addf %add3A_583, %get3A_591 : vector<16xf32>
        %mul3A_593 = arith.constant 9 : i32
        %mul3A_594 = arith.muli %scan3A_414, %mul3A_593 : i32
        %add3A_595 = arith.constant 8 : i32
        %add3A_596 = arith.addi %mul3A_594, %add3A_595 : i32
        %get3A_597 = arith.index_cast %add3A_596 : i32 to index
        %get3A_598 = arith.constant 16 : index
        %get3A_599 = tpu.vector_load %arg23[%get3A_597, %get3A_598] {strides = array<i32>} : memref<576x64xf32, #tpu.memory_space<vmem>>, vector<1x16xf32>,
        %get3A_600 = vector.shape_cast %get3A_599 : vector<1x16xf32> to vector<16xf32>
        %add3A_601 = arith.addf %add3A_592, %get3A_600 : vector<16xf32>
        %add3A_602 = arith.constant 0 : i32
        %add3A_603 = arith.addi %scan3A_414, %add3A_602 : i32
        %swap3A_604 = arith.index_cast %add3A_603 : i32 to index
        %swap3A_605 = arith.constant 16 : index
        %swap3A_606 = tpu.vector_load %arg26[%swap3A_604, %swap3A_605] {strides = array<i32>} : memref<65x64xf32, #tpu.memory_space<vmem>>, vector<1x16xf32>,
        %swap3A_607 = vector.shape_cast %swap3A_606 : vector<1x16xf32> to vector<16xf32>
        %swap3A_608 = vector.shape_cast %add3A_601 : vector<16xf32> to vector<1x16xf32>
        tpu.vector_store %arg26[%swap3A_604, %swap3A_605], %swap3A_608 {strides = array<i32>} : memref<65x64xf32, #tpu.memory_space<vmem>>, vector<1x16xf32>,
        %get3A_609 = arith.index_cast %scan3A_414 : i32 to index
        %get3A_610 = arith.constant 32 : index
        %get3A_611 = tpu.vector_load %arg24[%get3A_609, %get3A_610] {strides = array<i32>} : memref<64x64xf32, #tpu.memory_space<vmem>>, vector<1x16xf32>,
        %get3A_612 = vector.shape_cast %get3A_611 : vector<1x16xf32> to vector<16xf32>
        %get3A_613 = arith.index_cast %scan3A_414 : i32 to index
        %get3A_614 = arith.constant 32 : index
        %get3A_615 = tpu.vector_load %arg25[%get3A_613, %get3A_614] {strides = array<i32>} : memref<64x64xf32, #tpu.memory_space<vmem>>, vector<1x16xf32>,
        %get3A_616 = vector.shape_cast %get3A_615 : vector<1x16xf32> to vector<16xf32>
        %add3A_617 = arith.addf %get3A_612, %get3A_616 : vector<16xf32>
        %mul3A_618 = arith.constant 9 : i32
        %mul3A_619 = arith.muli %scan3A_414, %mul3A_618 : i32
        %add3A_620 = arith.constant 0 : i32
        %add3A_621 = arith.addi %mul3A_619, %add3A_620 : i32
        %get3A_622 = arith.index_cast %add3A_621 : i32 to index
        %get3A_623 = arith.constant 32 : index
        %get3A_624 = tpu.vector_load %arg23[%get3A_622, %get3A_623] {strides = array<i32>} : memref<576x64xf32, #tpu.memory_space<vmem>>, vector<1x16xf32>,
        %get3A_625 = vector.shape_cast %get3A_624 : vector<1x16xf32> to vector<16xf32>
        %add3A_626 = arith.addf %add3A_617, %get3A_625 : vector<16xf32>
        %mul3A_627 = arith.constant 9 : i32
        %mul3A_628 = arith.muli %scan3A_414, %mul3A_627 : i32
        %add3A_629 = arith.constant 1 : i32
        %add3A_630 = arith.addi %mul3A_628, %add3A_629 : i32
        %get3A_631 = arith.index_cast %add3A_630 : i32 to index
        %get3A_632 = arith.constant 32 : index
        %get3A_633 = tpu.vector_load %arg23[%get3A_631, %get3A_632] {strides = array<i32>} : memref<576x64xf32, #tpu.memory_space<vmem>>, vector<1x16xf32>,
        %get3A_634 = vector.shape_cast %get3A_633 : vector<1x16xf32> to vector<16xf32>
        %add3A_635 = arith.addf %add3A_626, %get3A_634 : vector<16xf32>
        %mul3A_636 = arith.constant 9 : i32
        %mul3A_637 = arith.muli %scan3A_414, %mul3A_636 : i32
        %add3A_638 = arith.constant 2 : i32
        %add3A_639 = arith.addi %mul3A_637, %add3A_638 : i32
        %get3A_640 = arith.index_cast %add3A_639 : i32 to index
        %get3A_641 = arith.constant 32 : index
        %get3A_642 = tpu.vector_load %arg23[%get3A_640, %get3A_641] {strides = array<i32>} : memref<576x64xf32, #tpu.memory_space<vmem>>, vector<1x16xf32>,
        %get3A_643 = vector.shape_cast %get3A_642 : vector<1x16xf32> to vector<16xf32>
        %add3A_644 = arith.addf %add3A_635, %get3A_643 : vector<16xf32>
        %mul3A_645 = arith.constant 9 : i32
        %mul3A_646 = arith.muli %scan3A_414, %mul3A_645 : i32
        %add3A_647 = arith.constant 3 : i32
        %add3A_648 = arith.addi %mul3A_646, %add3A_647 : i32
        %get3A_649 = arith.index_cast %add3A_648 : i32 to index
        %get3A_650 = arith.constant 32 : index
        %get3A_651 = tpu.vector_load %arg23[%get3A_649, %get3A_650] {strides = array<i32>} : memref<576x64xf32, #tpu.memory_space<vmem>>, vector<1x16xf32>,
        %get3A_652 = vector.shape_cast %get3A_651 : vector<1x16xf32> to vector<16xf32>
        %add3A_653 = arith.addf %add3A_644, %get3A_652 : vector<16xf32>
        %mul3A_654 = arith.constant 9 : i32
        %mul3A_655 = arith.muli %scan3A_414, %mul3A_654 : i32
        %add3A_656 = arith.constant 4 : i32
        %add3A_657 = arith.addi %mul3A_655, %add3A_656 : i32
        %get3A_658 = arith.index_cast %add3A_657 : i32 to index
        %get3A_659 = arith.constant 32 : index
        %get3A_660 = tpu.vector_load %arg23[%get3A_658, %get3A_659] {strides = array<i32>} : memref<576x64xf32, #tpu.memory_space<vmem>>, vector<1x16xf32>,
        %get3A_661 = vector.shape_cast %get3A_660 : vector<1x16xf32> to vector<16xf32>
        %add3A_662 = arith.addf %add3A_653, %get3A_661 : vector<16xf32>
        %mul3A_663 = arith.constant 9 : i32
        %mul3A_664 = arith.muli %scan3A_414, %mul3A_663 : i32
        %add3A_665 = arith.constant 5 : i32
        %add3A_666 = arith.addi %mul3A_664, %add3A_665 : i32
        %get3A_667 = arith.index_cast %add3A_666 : i32 to index
        %get3A_668 = arith.constant 32 : index
        %get3A_669 = tpu.vector_load %arg23[%get3A_667, %get3A_668] {strides = array<i32>} : memref<576x64xf32, #tpu.memory_space<vmem>>, vector<1x16xf32>,
        %get3A_670 = vector.shape_cast %get3A_669 : vector<1x16xf32> to vector<16xf32>
        %add3A_671 = arith.addf %add3A_662, %get3A_670 : vector<16xf32>
        %mul3A_672 = arith.constant 9 : i32
        %mul3A_673 = arith.muli %scan3A_414, %mul3A_672 : i32
        %add3A_674 = arith.constant 6 : i32
        %add3A_675 = arith.addi %mul3A_673, %add3A_674 : i32
        %get3A_676 = arith.index_cast %add3A_675 : i32 to index
        %get3A_677 = arith.constant 32 : index
        %get3A_678 = tpu.vector_load %arg23[%get3A_676, %get3A_677] {strides = array<i32>} : memref<576x64xf32, #tpu.memory_space<vmem>>, vector<1x16xf32>,
        %get3A_679 = vector.shape_cast %get3A_678 : vector<1x16xf32> to vector<16xf32>
        %add3A_680 = arith.addf %add3A_671, %get3A_679 : vector<16xf32>
        %mul3A_681 = arith.constant 9 : i32
        %mul3A_682 = arith.muli %scan3A_414, %mul3A_681 : i32
        %add3A_683 = arith.constant 7 : i32
        %add3A_684 = arith.addi %mul3A_682, %add3A_683 : i32
        %get3A_685 = arith.index_cast %add3A_684 : i32 to index
        %get3A_686 = arith.constant 32 : index
        %get3A_687 = tpu.vector_load %arg23[%get3A_685, %get3A_686] {strides = array<i32>} : memref<576x64xf32, #tpu.memory_space<vmem>>, vector<1x16xf32>,
        %get3A_688 = vector.shape_cast %get3A_687 : vector<1x16xf32> to vector<16xf32>
        %add3A_689 = arith.addf %add3A_680, %get3A_688 : vector<16xf32>
        %mul3A_690 = arith.constant 9 : i32
        %mul3A_691 = arith.muli %scan3A_414, %mul3A_690 : i32
        %add3A_692 = arith.constant 8 : i32
        %add3A_693 = arith.addi %mul3A_691, %add3A_692 : i32
        %get3A_694 = arith.index_cast %add3A_693 : i32 to index
        %get3A_695 = arith.constant 32 : index
        %get3A_696 = tpu.vector_load %arg23[%get3A_694, %get3A_695] {strides = array<i32>} : memref<576x64xf32, #tpu.memory_space<vmem>>, vector<1x16xf32>,
        %get3A_697 = vector.shape_cast %get3A_696 : vector<1x16xf32> to vector<16xf32>
        %add3A_698 = arith.addf %add3A_689, %get3A_697 : vector<16xf32>
        %add3A_699 = arith.constant 0 : i32
        %add3A_700 = arith.addi %scan3A_414, %add3A_699 : i32
        %swap3A_701 = arith.index_cast %add3A_700 : i32 to index
        %swap3A_702 = arith.constant 32 : index
        %swap3A_703 = tpu.vector_load %arg26[%swap3A_701, %swap3A_702] {strides = array<i32>} : memref<65x64xf32, #tpu.memory_space<vmem>>, vector<1x16xf32>,
        %swap3A_704 = vector.shape_cast %swap3A_703 : vector<1x16xf32> to vector<16xf32>
        %swap3A_705 = vector.shape_cast %add3A_698 : vector<16xf32> to vector<1x16xf32>
        tpu.vector_store %arg26[%swap3A_701, %swap3A_702], %swap3A_705 {strides = array<i32>} : memref<65x64xf32, #tpu.memory_space<vmem>>, vector<1x16xf32>,
        %get3A_706 = arith.index_cast %scan3A_414 : i32 to index
        %get3A_707 = arith.constant 48 : index
        %get3A_708 = tpu.vector_load %arg24[%get3A_706, %get3A_707] {strides = array<i32>} : memref<64x64xf32, #tpu.memory_space<vmem>>, vector<1x16xf32>,
        %get3A_709 = vector.shape_cast %get3A_708 : vector<1x16xf32> to vector<16xf32>
        %get3A_710 = arith.index_cast %scan3A_414 : i32 to index
        %get3A_711 = arith.constant 48 : index
        %get3A_712 = tpu.vector_load %arg25[%get3A_710, %get3A_711] {strides = array<i32>} : memref<64x64xf32, #tpu.memory_space<vmem>>, vector<1x16xf32>,
        %get3A_713 = vector.shape_cast %get3A_712 : vector<1x16xf32> to vector<16xf32>
        %add3A_714 = arith.addf %get3A_709, %get3A_713 : vector<16xf32>
        %mul3A_715 = arith.constant 9 : i32
        %mul3A_716 = arith.muli %scan3A_414, %mul3A_715 : i32
        %add3A_717 = arith.constant 0 : i32
        %add3A_718 = arith.addi %mul3A_716, %add3A_717 : i32
        %get3A_719 = arith.index_cast %add3A_718 : i32 to index
        %get3A_720 = arith.constant 48 : index
        %get3A_721 = tpu.vector_load %arg23[%get3A_719, %get3A_720] {strides = array<i32>} : memref<576x64xf32, #tpu.memory_space<vmem>>, vector<1x16xf32>,
        %get3A_722 = vector.shape_cast %get3A_721 : vector<1x16xf32> to vector<16xf32>
        %add3A_723 = arith.addf %add3A_714, %get3A_722 : vector<16xf32>
        %mul3A_724 = arith.constant 9 : i32
        %mul3A_725 = arith.muli %scan3A_414, %mul3A_724 : i32
        %add3A_726 = arith.constant 1 : i32
        %add3A_727 = arith.addi %mul3A_725, %add3A_726 : i32
        %get3A_728 = arith.index_cast %add3A_727 : i32 to index
        %get3A_729 = arith.constant 48 : index
        %get3A_730 = tpu.vector_load %arg23[%get3A_728, %get3A_729] {strides = array<i32>} : memref<576x64xf32, #tpu.memory_space<vmem>>, vector<1x16xf32>,
        %get3A_731 = vector.shape_cast %get3A_730 : vector<1x16xf32> to vector<16xf32>
        %add3A_732 = arith.addf %add3A_723, %get3A_731 : vector<16xf32>
        %mul3A_733 = arith.constant 9 : i32
        %mul3A_734 = arith.muli %scan3A_414, %mul3A_733 : i32
        %add3A_735 = arith.constant 2 : i32
        %add3A_736 = arith.addi %mul3A_734, %add3A_735 : i32
        %get3A_737 = arith.index_cast %add3A_736 : i32 to index
        %get3A_738 = arith.constant 48 : index
        %get3A_739 = tpu.vector_load %arg23[%get3A_737, %get3A_738] {strides = array<i32>} : memref<576x64xf32, #tpu.memory_space<vmem>>, vector<1x16xf32>,
        %get3A_740 = vector.shape_cast %get3A_739 : vector<1x16xf32> to vector<16xf32>
        %add3A_741 = arith.addf %add3A_732, %get3A_740 : vector<16xf32>
        %mul3A_742 = arith.constant 9 : i32
        %mul3A_743 = arith.muli %scan3A_414, %mul3A_742 : i32
        %add3A_744 = arith.constant 3 : i32
        %add3A_745 = arith.addi %mul3A_743, %add3A_744 : i32
        %get3A_746 = arith.index_cast %add3A_745 : i32 to index
        %get3A_747 = arith.constant 48 : index
        %get3A_748 = tpu.vector_load %arg23[%get3A_746, %get3A_747] {strides = array<i32>} : memref<576x64xf32, #tpu.memory_space<vmem>>, vector<1x16xf32>,
        %get3A_749 = vector.shape_cast %get3A_748 : vector<1x16xf32> to vector<16xf32>
        %add3A_750 = arith.addf %add3A_741, %get3A_749 : vector<16xf32>
        %mul3A_751 = arith.constant 9 : i32
        %mul3A_752 = arith.muli %scan3A_414, %mul3A_751 : i32
        %add3A_753 = arith.constant 4 : i32
        %add3A_754 = arith.addi %mul3A_752, %add3A_753 : i32
        %get3A_755 = arith.index_cast %add3A_754 : i32 to index
        %get3A_756 = arith.constant 48 : index
        %get3A_757 = tpu.vector_load %arg23[%get3A_755, %get3A_756] {strides = array<i32>} : memref<576x64xf32, #tpu.memory_space<vmem>>, vector<1x16xf32>,
        %get3A_758 = vector.shape_cast %get3A_757 : vector<1x16xf32> to vector<16xf32>
        %add3A_759 = arith.addf %add3A_750, %get3A_758 : vector<16xf32>
        %mul3A_760 = arith.constant 9 : i32
        %mul3A_761 = arith.muli %scan3A_414, %mul3A_760 : i32
        %add3A_762 = arith.constant 5 : i32
        %add3A_763 = arith.addi %mul3A_761, %add3A_762 : i32
        %get3A_764 = arith.index_cast %add3A_763 : i32 to index
        %get3A_765 = arith.constant 48 : index
        %get3A_766 = tpu.vector_load %arg23[%get3A_764, %get3A_765] {strides = array<i32>} : memref<576x64xf32, #tpu.memory_space<vmem>>, vector<1x16xf32>,
        %get3A_767 = vector.shape_cast %get3A_766 : vector<1x16xf32> to vector<16xf32>
        %add3A_768 = arith.addf %add3A_759, %get3A_767 : vector<16xf32>
        %mul3A_769 = arith.constant 9 : i32
        %mul3A_770 = arith.muli %scan3A_414, %mul3A_769 : i32
        %add3A_771 = arith.constant 6 : i32
        %add3A_772 = arith.addi %mul3A_770, %add3A_771 : i32
        %get3A_773 = arith.index_cast %add3A_772 : i32 to index
        %get3A_774 = arith.constant 48 : index
        %get3A_775 = tpu.vector_load %arg23[%get3A_773, %get3A_774] {strides = array<i32>} : memref<576x64xf32, #tpu.memory_space<vmem>>, vector<1x16xf32>,
        %get3A_776 = vector.shape_cast %get3A_775 : vector<1x16xf32> to vector<16xf32>
        %add3A_777 = arith.addf %add3A_768, %get3A_776 : vector<16xf32>
        %mul3A_778 = arith.constant 9 : i32
        %mul3A_779 = arith.muli %scan3A_414, %mul3A_778 : i32
        %add3A_780 = arith.constant 7 : i32
        %add3A_781 = arith.addi %mul3A_779, %add3A_780 : i32
        %get3A_782 = arith.index_cast %add3A_781 : i32 to index
        %get3A_783 = arith.constant 48 : index
        %get3A_784 = tpu.vector_load %arg23[%get3A_782, %get3A_783] {strides = array<i32>} : memref<576x64xf32, #tpu.memory_space<vmem>>, vector<1x16xf32>,
        %get3A_785 = vector.shape_cast %get3A_784 : vector<1x16xf32> to vector<16xf32>
        %add3A_786 = arith.addf %add3A_777, %get3A_785 : vector<16xf32>
        %mul3A_787 = arith.constant 9 : i32
        %mul3A_788 = arith.muli %scan3A_414, %mul3A_787 : i32
        %add3A_789 = arith.constant 8 : i32
        %add3A_790 = arith.addi %mul3A_788, %add3A_789 : i32
        %get3A_791 = arith.index_cast %add3A_790 : i32 to index
        %get3A_792 = arith.constant 48 : index
        %get3A_793 = tpu.vector_load %arg23[%get3A_791, %get3A_792] {strides = array<i32>} : memref<576x64xf32, #tpu.memory_space<vmem>>, vector<1x16xf32>,
        %get3A_794 = vector.shape_cast %get3A_793 : vector<1x16xf32> to vector<16xf32>
        %add3A_795 = arith.addf %add3A_786, %get3A_794 : vector<16xf32>
        %add3A_796 = arith.constant 0 : i32
        %add3A_797 = arith.addi %scan3A_414, %add3A_796 : i32
        %swap3A_798 = arith.index_cast %add3A_797 : i32 to index
        %swap3A_799 = arith.constant 48 : index
        %swap3A_800 = tpu.vector_load %arg26[%swap3A_798, %swap3A_799] {strides = array<i32>} : memref<65x64xf32, #tpu.memory_space<vmem>>, vector<1x16xf32>,
        %swap3A_801 = vector.shape_cast %swap3A_800 : vector<1x16xf32> to vector<16xf32>
        %swap3A_802 = vector.shape_cast %add3A_795 : vector<16xf32> to vector<1x16xf32>
        tpu.vector_store %arg26[%swap3A_798, %swap3A_799], %swap3A_802 {strides = array<i32>} : memref<65x64xf32, #tpu.memory_space<vmem>>, vector<1x16xf32>,
      }
      %scan3A_399 = arith.constant 64 : i32
      %dma_start3A_400 = arith.constant 0 : i32
      %dma_start3A_401 = arith.constant 0 : i32
      %dma_start3A_402 = tpu.memref_slice %arg26[%dma_start3A_400, %dma_start3A_401] : memref<65x64xf32, #tpu.memory_space<vmem>> -> memref<64x64xf32, #tpu.memory_space<vmem>>
      %dma_start3A_403 = arith.constant 65 : i32
      %dma_start3A_404 = arith.constant 0 : i32
      %dma_start3A_405 = tpu.memref_slice %arg9[%add3A_388, %dma_start3A_403, %dma_start3A_404] : memref<1024x129x64xf32, #tpu.memory_space<hbm>> -> memref<1x64x64xf32, #tpu.memory_space<hbm>>
      %dma_start3A_406 = tpu.memref_squeeze %dma_start3A_405 : memref<1x64x64xf32, #tpu.memory_space<hbm>> -> memref<64x64xf32, #tpu.memory_space<hbm>>
      %dma_start3A_407 = arith.constant 65 : i32
      %dma_start3A_408 = arith.constant 0 : i32
      %dma_start3A_409 = tpu.memref_slice %arg9[%add3A_388, %dma_start3A_407, %dma_start3A_408] : memref<1024x129x64xf32, #tpu.memory_space<hbm>> -> memref<1x64x64xf32, #tpu.memory_space<hbm>>
      %dma_start3A_410 = tpu.memref_squeeze %dma_start3A_409 : memref<1x64x64xf32, #tpu.memory_space<hbm>> -> memref<64x64xf32, #tpu.memory_space<hbm>>
      %dma_start3A_411 = arith.constant 0 : i32
      %dma_start3A_412 = arith.constant 0 : i32
      %dma_start3A_413 = tpu.memref_slice %arg26[%dma_start3A_411, %dma_start3A_412] : memref<65x64xf32, #tpu.memory_space<vmem>> -> memref<64x64xf32, #tpu.memory_space<vmem>>
      tpu.enqueue_dma source(%dma_start3A_413 : memref<64x64xf32, #tpu.memory_space<vmem>>) target(%dma_start3A_410 : memref<64x64xf32, #tpu.memory_space<hbm>>) target_semaphore(%arg29 : memref<!tpu.dma_semaphore, #tpu.memory_space<semaphore_mem>>)
    }
    %scan3A_131 = arith.constant 32 : i32
    %dma_wait3A_132 = arith.constant 0 : i32
    %dma_wait3A_133 = arith.constant 0 : i32
    %dma_wait3A_134 = arith.constant 0 : i32
    %dma_wait3A_135 = tpu.memref_slice %arg9[%dma_wait3A_132, %dma_wait3A_133, %dma_wait3A_134] : memref<1024x129x64xf32, #tpu.memory_space<hbm>> -> memref<1x65x64xf32, #tpu.memory_space<hbm>>
    %dma_wait3A_136 = tpu.memref_squeeze %dma_wait3A_135 : memref<1x65x64xf32, #tpu.memory_space<hbm>> -> memref<65x64xf32, #tpu.memory_space<hbm>>
    %dma_wait3A_137 = arith.constant 0 : i32
    %dma_wait3A_138 = arith.constant 0 : i32
    %dma_wait3A_139 = tpu.memref_slice %arg9[%dma_wait3A_132, %dma_wait3A_137, %dma_wait3A_138] : memref<1024x129x64xf32, #tpu.memory_space<hbm>> -> memref<1x65x64xf32, #tpu.memory_space<hbm>>
    %dma_wait3A_140 = tpu.memref_squeeze %dma_wait3A_139 : memref<1x65x64xf32, #tpu.memory_space<hbm>> -> memref<65x64xf32, #tpu.memory_space<hbm>>
    tpu.wait_dma2 semaphore(%arg19 : memref<!tpu.dma_semaphore, #tpu.memory_space<semaphore_mem>>) src(%arg16 : memref<65x64xf32, #tpu.memory_space<vmem>>) dst(%dma_wait3A_140 : memref<65x64xf32, #tpu.memory_space<hbm>>)
    %dma_wait3A_141 = arith.constant 0 : i32
    %dma_wait3A_142 = arith.constant 0 : i32
    %dma_wait3A_143 = arith.constant 0 : i32
    %dma_wait3A_144 = tpu.memref_slice %arg26[%dma_wait3A_142, %dma_wait3A_143] : memref<65x64xf32, #tpu.memory_space<vmem>> -> memref<64x64xf32, #tpu.memory_space<vmem>>
    %dma_wait3A_145 = arith.constant 65 : i32
    %dma_wait3A_146 = arith.constant 0 : i32
    %dma_wait3A_147 = tpu.memref_slice %arg9[%dma_wait3A_141, %dma_wait3A_145, %dma_wait3A_146] : memref<1024x129x64xf32, #tpu.memory_space<hbm>> -> memref<1x64x64xf32, #tpu.memory_space<hbm>>
    %dma_wait3A_148 = tpu.memref_squeeze %dma_wait3A_147 : memref<1x64x64xf32, #tpu.memory_space<hbm>> -> memref<64x64xf32, #tpu.memory_space<hbm>>
    %dma_wait3A_149 = arith.constant 65 : i32
    %dma_wait3A_150 = arith.constant 0 : i32
    %dma_wait3A_151 = tpu.memref_slice %arg9[%dma_wait3A_141, %dma_wait3A_149, %dma_wait3A_150] : memref<1024x129x64xf32, #tpu.memory_space<hbm>> -> memref<1x64x64xf32, #tpu.memory_space<hbm>>
    %dma_wait3A_152 = tpu.memref_squeeze %dma_wait3A_151 : memref<1x64x64xf32, #tpu.memory_space<hbm>> -> memref<64x64xf32, #tpu.memory_space<hbm>>
    %dma_wait3A_153 = arith.constant 0 : i32
    %dma_wait3A_154 = arith.constant 0 : i32
    %dma_wait3A_155 = tpu.memref_slice %arg26[%dma_wait3A_153, %dma_wait3A_154] : memref<65x64xf32, #tpu.memory_space<vmem>> -> memref<64x64xf32, #tpu.memory_space<vmem>>
    tpu.wait_dma2 semaphore(%arg29 : memref<!tpu.dma_semaphore, #tpu.memory_space<semaphore_mem>>) src(%dma_wait3A_155 : memref<64x64xf32, #tpu.memory_space<vmem>>) dst(%dma_wait3A_152 : memref<64x64xf32, #tpu.memory_space<hbm>>)
    return
  }
}

</mosaic_0001>

<sc_bundles>
// kernel: kernel.3.cloned.1.call-start
scs
__scs_entry_jumppad:
0x0: {  	(pc) =	sbr.rel $0x88, $3  }
0x1: {  	(tag) =	ssettag $0x0;
	lr =	simm.s32 $0x1  }
0x2: {  	[smem:$0x3F9A] =	sst lr;
	_ =	strace $0xD0000000  }
0x3: {  	_ = 	snop  }
0x4: {  	_ = 	snop  }
0x5: {  	_ = 	snop  }
0x6: {  	_ = 	snop  }
0x7: {  	_ = 	snop  }
__scs_overlays_trampoline_lowered:
0x8: {  	[smem:$0x3FA9] =	sst s0  }
0x9: {  	[smem:$0x3FAA] =	sst s1  }
0xa: {  	[smem:$0x3FAB] =	sst s2  }
0xb: {  	[smem:$0x3FAC] =	sst s3  }
0xc: {  	[smem:$0x3FAD] =	sst s4  }
0xd: {  	[smem:$0x3FAE] =	sst s5  }
0xe: {  	[smem:$0x3FAF] =	sst s6  }
0xf: {  	[smem:$0x3FB0] =	sst s7  }
0x10: {  	[smem:$0x3FB1] =	sst s8  }
0x11: {  	[smem:$0x3FB2] =	sst s9;
	s0 =	simm.s32 @!p0 $0x0  }
0x12: {  	s1 =	sld [smem:$0x3F98];
	s0 =	simm.s32 @p0 $0x1  }
0x13: {  	[smem:$0x3FB3] =	sst s0;
	s0 =	simm.s32 @!p1 $0x0  }
0x14: {  	s2 =	sld [smem:$0x3F97];
	s0 =	simm.s32 @p1 $0x1  }
0x15: {  	[smem:$0x3FB4] =	sst s0;
	s0 =	simm.s32 @!p2 $0x0  }
0x16: {  	s3 =	sld [smem:$0x3FDB];
	s0 =	simm.s32 @p2 $0x1  }
0x17: {  	s4 =	simm.s32 $0x1BF5;
	[smem:$0x3FB6] =	sst s0  }
0x18: {  	s0 =	sld [smem:$0x3F99];
	_ =	swait.ge [sflag:s4], $0x0  }
0x19: {  	s7 =	sld [smem:$0x3F9A]  }
0x1a: {  	s8 =	sadd.s32 $0xFFFFE003, lr  }
0x1b: {  	s9 =	sadd.s32 $0xFFFFFEF7, lr;
	s5 =	simm.s32 $0xFFFFFFFF;
	p2 =	slt.u32 s8, $0xFFFFF086  }
0x1c: {  	p1 =	slt.u32 s9, $0xF7A;
	s5 =	simm.s32 @!p2 $0x0  }
0x1d: {  	s5 =	simm.s32 @p1 $0x1;
	p0 =	seq.s32 s7, s2  }
0x1e: {  	s7 =	smul.u32 @!p0 $0xF7A, s2;
	p2 =	seq.s32 @!p0 s5, $0x0  }
0x1f: {  	s9 =	smul.u32 $0xF7A, s1;
	s8 =	simm.s32 @!p0 $0x1BF5;
	p2 =	por !p2, p0  }
0x20: {  	[sflag:s8] =	ssyncset.s32 @!p0 $0xFFFFF086;
	s6 =	sadd.s32 @!p0 s3, s7;
	s7 =	simm.s32 @!p0 $0x108  }
0x21: {  	s3 =	sadd.s32 s3, s9;
	s6 =	sadd.s32 @!p0 $0x88, s6;
	s7 =	simm.s32 @p2 $0x1082  }
0x22: {  	[simem:s7], [sflag:s8] =	dma.local @!p0 [hbm:s6], $0xF7A  }
0x23: {  	s9 =	sor.u32 $0xD0000000, s2;
	s6 =	simm.s32 $0x108;
	_ =	swait.ge @!p0 [sflag:s8], $0x0  }
0x24: {  	s3 =	sadd.s32 $0x88, s3;
	s6 =	simm.s32 @!p1 $0x1082;
	[sflag:s4] =	ssyncset.s32 $0xFFFFF086  }
0x25: {  	[simem:s6], [sflag:s4] =	dma.local [hbm:s3], $0xF7A  }
0x26: {  	[smem:$0x3F9A] =	sst s1;
	(tag) =	ssettag s2;
	_ =	strace s9  }
0x27: {  	s1 =	sld [smem:$0x3FAA]  }
0x28: {  	s2 =	sld [smem:$0x3FAB]  }
0x29: {  	s4 =	sld [smem:$0x3FAD]  }
0x2a: {  	p0 =	seq.s32 s5, $0x0;
	s5 =	sld [smem:$0x3FAE]  }
0x2b: {  	s6 =	sld [smem:$0x3FAF]  }
0x2c: {  	s7 =	sld [smem:$0x3FB0]  }
0x2d: {  	s3 =	simm.s32 $0x108;
	s8 =	sld [smem:$0x3FB1]  }
0x2e: {  	s3 =	simm.s32 @!p0 $0x1082;
	s9 =	sld [smem:$0x3FB2]  }
0x2f: {  	lr =	sadd.s32 s0, s3;
	s0 =	sld [smem:$0x3FA9]  }
0x30: {  	s3 =	sld [smem:$0x3FAC]  }
0x31: {  	[smem:$0x3FB5] =	sst s10  }
0x32: {  	s10 =	sld [smem:$0x3FB3];
	_ =	sdelay $0x3  }
0x33: {  	p0 =	seq.s32 s10, $0x1;
	s10 =	sld [smem:$0x3FB5];
	_ =	sdelay $0x3  }
0x34: {  	[smem:$0x3FB5] =	sst s10  }
0x35: {  	s10 =	sld [smem:$0x3FB4];
	_ =	sdelay $0x3  }
0x36: {  	p1 =	seq.s32 s10, $0x1;
	s10 =	sld [smem:$0x3FB5];
	_ =	sdelay $0x3  }
0x37: {  	[smem:$0x3FB5] =	sst s10  }
0x38: {  	s10 =	sld [smem:$0x3FB6]  }
0x39: {  	_ = 	snop;
	(pc) =	sbr.ind lr, $3  }
0x3a: {  	_ = 	snop  }
0x3b: {  	_ = 	snop  }
0x3c: {  	p2 =	seq.s32 s10, $0x1;
	s10 =	sld [smem:$0x3FB5]  }
0x3d: {  	_ =	shalt  }
0x3e: {  	_ =	shalt  }
0x3f: {  	_ =	shalt  }
0x40: {  	_ =	shalt  }
0x41: {  	_ =	shalt  }
0x42: {  	_ =	shalt  }
0x43: {  	_ =	shalt  }
0x44: {  	_ =	shalt  }
0x45: {  	_ =	shalt  }
0x46: {  	_ =	shalt  }
0x47: {  	_ =	shalt  }
0x48: {  	_ =	shalt  }
0x49: {  	_ =	shalt  }
0x4a: {  	_ =	shalt  }
0x4b: {  	_ =	shalt  }
0x4c: {  	_ =	shalt  }
0x4d: {  	_ =	shalt  }
0x4e: {  	_ =	shalt  }
0x4f: {  	_ =	shalt  }
0x50: {  	_ =	shalt  }
0x51: {  	_ =	shalt  }
0x52: {  	_ =	shalt  }
0x53: {  	_ =	shalt  }
0x54: {  	_ =	shalt  }
0x55: {  	_ =	shalt  }
0x56: {  	_ =	shalt  }
0x57: {  	_ =	shalt  }
0x58: {  	_ =	shalt  }
0x59: {  	_ =	shalt  }
0x5a: {  	_ =	shalt  }
0x5b: {  	_ =	shalt  }
0x5c: {  	_ =	shalt  }
0x5d: {  	_ =	shalt  }
0x5e: {  	_ =	shalt  }
0x5f: {  	_ =	shalt  }
0x60: {  	_ =	shalt  }
0x61: {  	_ =	shalt  }
0x62: {  	_ =	shalt  }
0x63: {  	_ =	shalt  }
0x64: {  	_ =	shalt  }
0x65: {  	_ =	shalt  }
0x66: {  	_ =	shalt  }
0x67: {  	_ =	shalt  }
0x68: {  	_ =	shalt  }
0x69: {  	_ =	shalt  }
0x6a: {  	_ =	shalt  }
0x6b: {  	_ =	shalt  }
0x6c: {  	_ =	shalt  }
0x6d: {  	_ =	shalt  }
0x6e: {  	_ =	shalt  }
0x6f: {  	_ =	shalt  }
0x70: {  	_ =	shalt  }
0x71: {  	_ =	shalt  }
0x72: {  	_ =	shalt  }
0x73: {  	_ =	shalt  }
0x74: {  	_ =	shalt  }
0x75: {  	_ =	shalt  }
0x76: {  	_ =	shalt  }
0x77: {  	_ =	shalt  }
0x78: {  	_ =	shalt  }
0x79: {  	_ =	shalt  }
0x7a: {  	_ =	shalt  }
0x7b: {  	_ =	shalt  }
0x7c: {  	_ =	shalt  }
0x7d: {  	_ =	shalt  }
0x7e: {  	_ =	shalt  }
0x7f: {  	_ =	shalt  }
0x80: {  	_ =	shalt  }
0x81: {  	_ =	shalt  }
0x82: {  	_ =	shalt  }
0x83: {  	_ =	shalt  }
0x84: {  	_ =	shalt  }
0x85: {  	_ =	shalt  }
0x86: {  	_ =	shalt  }
0x87: {  	_ =	shalt  }
.Lfunc_end0:
.L_simem_size_0:
called_computation.1_lowered:
.L_overlay_start_0:
0x88: {  	s2 =	sld [smem:$0x3FD9]  }
0x89: {  	s3 =	sld [smem:$0x3FFE];
	_ =	sdelay $0x1  }
0x8a: {  	s1 =	srdreg.scid  }
0x8b: {  	s0 =	sand.u32 $0x1, s1  }
0x8c: {  	s17 =	sshll.u32 s0, $0xA;
	s2 =	sadd.s32 s3, s2  }
0x8d: {  	s2 =	sadd.s32 s2, s17  }
0x8e: {  	[smem:$0x3FC1] =	sst s2  }
0x8f: {  	_ = 	snop  }
0x90: {  	s2 =	sld [smem:$0x3FC8]  }
0x91: {  	s18 =	sld [smem:$0x3FC3]  }
0x92: {  	s4 =	sld [smem:$0x3FD0];
	(tm) =	ssettm $0x1  }
0x93: {  	s5 =	sld [smem:$0x3FFB];
	_ =	sdelay $0x3  }
0x94: {  	_ =	strace s5  }
0x95: {  	s5 =	sld [smem:$0x3FFC];
	_ =	sdelay $0x3  }
0x96: {  	_ =	strace s5  }
0x97: {  	s5 =	sld [smem:$0x3FFD];
	_ =	sdelay $0x3  }
0x98: {  	_ =	strace s5  }
0x99: {  	_ =	strace $0x8FFFFFFF  }
0x9a: {  	s19 =	sld [smem:$0x3FDB];
	_ =	sdelay $0x1  }
0x9b: {  	s6 =	simm.s32 $_scs_section_size  }
0x9c: {  	s7 =	simm.s32 $_size__tile_overlayer_lowered;
	s8 =	simm.s32 $_tile_overlayer_lowered  }
0x9d: {  	s22 =	simm.s32 $0x1BFF;
	s21 =	sshll.u32 s8, $0x1;
	s5 =	sadd.s32 s6, s19  }
0x9e: {  	s9 =	simm.s32 $0x0;
	s20 =	sshll.u32 s7, $0x1;
	s7 =	sadd.s32 s21, s5  }
0x9f: {  	[timem:s9], [sflag:s22] =	dma.local [hbm:s7], s20  }
0xa0: {  	_ =	swait.ge [sflag:s22], s20  }
0xa1: {  	s6 =	ssub.s32 $0x0, s20;
	[sflag:s22] =	ssyncset.done $0x0  }
0xa2: {  	[sflag:s22] =	ssyncadd.s32 s6;
	_ =	sdelay $0x1  }
0xa3: {  	s23 =	simm.s32 $0x1B8B  }
0xa4: {  	_ =	swait.ge [sflag:s23], $0x1  }
0xa5: {  	[sflag:s23] =	ssyncset.done $0x0  }
0xa6: {  	s25 =	simm.s32 $0x1B8E;
	s24 =	sld [smem:$0x3FFE];
	[sflag:s23] =	ssyncadd.s32 $0xFFFFFFFF  }
0xa7: {  	s26 =	simm.s32 $execute0_lowered;
	[smem:$0x3FD2] =	sst s25  }
0xa8: {  	s7 =	sshll.u32 s26, $0x1;
	_ =	strace $0x80000046;
	[dreg:$0x1] =	wrdreg $0xFFFFFFFF  }
0xa9: {  	s28 =	simm.s32 $_size_execute0_lowered;
	s5 =	sadd.s32 s5, s7;
	[dreg:$0x0] =	wrdreg $0x0  }
0xaa: {  	s7 =	sshll.u32 s28, $0x1;
	[dreg:$0x2] =	wrdreg s5  }
0xab: {  	[dreg:$0x3] =	wrdreg s7  }
0xac: {  	[dreg:$0x4] =	wrdreg $0xC0  }
0xad: {  	_ =	task [dreg:s9], $0x5FFFF  }
0xae: {  	[dreg:$0x1] =	wrdreg $0xFFFFFFFF  }
0xaf: {  	[dreg:$0x0] =	wrdreg $0x60  }
0xb0: {  	[dreg:$0x2] =	wrdreg s24  }
0xb1: {  	[dreg:$0x3] =	wrdreg s2  }
0xb2: {  	[dreg:$0x4] =	wrdreg s18  }
0xb3: {  	[dreg:$0x5] =	wrdreg s4  }
0xb4: {  	[dreg:$0x6] =	wrdreg $0x9  }
0xb5: {  	_ =	task.clear_ibuf [dreg:s9], $0x7FFFF;
	_ =	strace $0x90000046  }
0xb6: {  	s29 =	simm.s32 $0x9;
	_ =	strace $0x80000048  }
0xb7: {  	_ =	swait.ge [sflag:s29], $0x1  }
0xb8: {  	[sflag:s29] =	ssyncadd.s32 $0xFFFFFFFF  }
0xb9: {  	_ =	strace $0x90000048  }
0xba: {  	_ =	sfence  }
0xbb: {  	s30 =	sld [smem:$0x0];
	_ =	sdelay $0x2  }
0xbc: {  	s31 =	sshll.u32 s1, $0xD;
	s1 =	sshrl.u32 s1, $0x2  }
0xbd: {  	s3 =	sand.u32 $0x4000, s31;
	s1 =	sadd.s32 s1, s30  }
0xbe: {  	s0 =	sor.u32 s3, s0;
	s1 =	sshll.u32 s1, $0x11  }
0xbf: {  	s0 =	sor.u32 s1, s0  }
0xc0: {  	s0 =	sadd.s32 $0x8F2B, s0  }
0xc1: {  	[sflag:s0] =	ssyncadd.remote.s32 $0x1  }
0xc2: {  	_ =	sfence.sel $0xFFFF  }
0xc3: {  	[dreg:$0x0] =	wrdreg $0xFFFFFFFF;
	(pc) =	sbr.abs _section_cstart, $3  }
0xc4: {  	[dreg:$0x1] =	wrdreg $0xFFFFFFFF  }
0xc5: {  	_ =	task.clear_ibuf [dreg:s9], $0x2FFFF;
	_ =	strace $0x9FFFFFFF  }
0xc6: {  	(tm) =	ssettm $0x7FFFFFFF  }
0xc7: {  	_ =	shalt  }
tec
execute0_lowered:
.L_overlay_start_1:
0x0: {  	(tag) =	ssettag $0x1  }
0x1: {  	s0 =	rddreg [dreg:$0x0]  }
0x2: {  	s1 =	rddreg [dreg:$0x1]  }
0x3: {  	s3 =	rddreg [dreg:$0x3];
	s5 =	simm.s32 $0x0;
	s2 =	srdreg.scid  }
0x4: {  	s4 =	stileid.u32;
	s31 =	simm.s32 $0xC300;
	s21 =	simm.s32 $0x4  }
0x5: {  	s16 =	simm.s32 $0x155C0;
	s20 =	simm.s32 $0x165C0;
	s28 =	simm.s32 $0x175C0  }
0x6: {  	s29 =	simm.s32 $0x3;
	s14 =	simm.s32 $0x0;
	[smem:$0x7FF] =	sst s5  }
0x7: {  	s6 =	sadd.s32 $0x600, s0;
	s2 =	sand.u32 $0x1, s2;
	s4 =	sshll.u32 s4, $0x1  }
0x8: {  	s7 =	sadd.s32 $0x24600, s0;
	s8 =	sadd.s32 $0x392000, s0;
	s9 =	sadd.s32 $0x387000, s0  }
0x9: {  	s10 =	sadd.s32 $0x388000, s0;
	s4 =	sor.u32 s2, s4;
	s2 =	ssub.s32 $0x2, s2  }
0xa: {  	_ =	strace $0x80000047;
	s11 =	smul.u32 $0x1200, s4;
	s22 =	sshrl.u32 s2, $0x1  }
0xb: {  	s12 =	sshll.u32 s4, $0x9;
	s17 =	sshll.u32 s4, $0x5;
	s19 =	sshllo.u32 s4, $0x5  }
0xc: {  	s4 =	simm.s32 $0xC580;
	s0 =	ssub.s32 s2, s22;
	s24 =	sadd.s32 s1, s12  }
0xd: {  	s25 =	sadd.s32 s7, s12;
	s26 =	sor.u32 $0x8, s12;
	[dreg:$0x6] =	wrdreg s24  }
0xe: {  	s18 =	sor.u32 $0x1, s17;
	s23 =	sadd.s32 s6, s11;
	[dreg:$0x7] =	wrdreg s25  }
0xf: {  	s22 =	simm.s32 $0xB2C0;
	s30 =	sadd.s32 s1, s26;
	[dreg:$0x5] =	wrdreg s23  }
0x10: {  	s0 =	smax.u32 s0, $0x1;
	s11 =	simm.s32 $0x2;
	[dreg:$0x9] =	wrdreg s30  }
0x11: {  	s25 =	simm.s32 $0x5;
	s2 =	sadd.s32 $0x48, s23;
	[dreg:$0xb] =	wrdreg s0  }
0x12: {  	s0 =	simm.s32 $0xC540;
	[dreg:$0x8] =	wrdreg s2;
	s2 =	sadd.s32 s7, s26  }
0x13: {  	s26 =	simm.s32 $0x80;
	[dreg:$0xa] =	wrdreg s2;
	s2 =	simm.s32 $0x40  }
.LBB2_1:
0x14: {  	s12 =	rddreg [dreg:$0x2];
	s13 =	simm.s32 $0x18600  }
0x15: {  	[tilespmem:s13], [sflag:$0x7] =	stream.linear.gather [hbm4b:s12+s5], $0x40, $0x38;
	[tilespmem:$0x18640] =	vst v63  }
0x16: {  	[dreg:$0xc] =	wrdreg s14;
	s13 =	simm.s32 $0x7  }
0x17: {  	_ =	swait.ge [sflag:s13], $0x40  }
0x18: {  	[sflag:s13] =	ssyncset.done $0x0  }
0x19: {  	s14 =	rddreg [dreg:$0x5];
	[sflag:s13] =	ssyncadd.s32 $0xFFFFFFC0  }
0x1a: {  	[tilespmem:s5], [sflag:$0x1] =	stream.linear.gather [hbm4b:s14+s5], $0x240, $0x38;
	[tilespmem:$0x18640] =	vst v63  }
0x1b: {  	s15 =	rddreg [dreg:$0x6];
	s13 =	simm.s32 $0x240  }
0x1c: {  	[tilespmem:s13], [sflag:$0x1] =	stream.linear.gather [hbm4b:s15+s5], $0x40, $0x38;
	[tilespmem:$0x18640] =	vst v63  }
0x1d: {  	s24 =	simm.s32 $0x1;
	s23 =	rddreg [dreg:$0x7];
	s14 =	simm.s32 $0x280  }
0x1e: {  	[tilespmem:s14], [sflag:$0x1] =	stream.linear.gather [hbm4b:s23+s5], $0x40, $0x38;
	[tilespmem:$0x18640] =	vst v63  }
0x1f: {  	_ =	swait.ge [sflag:s24], $0x240  }
0x20: {  	[sflag:s24] =	ssyncset.done $0x0  }
0x21: {  	[sflag:s24] =	ssyncadd.s32 $0xFFFFFDC0  }
0x22: {  	_ =	swait.ge [sflag:s24], $0x40  }
0x23: {  	[sflag:s24] =	ssyncset.done $0x0  }
0x24: {  	[sflag:s24] =	ssyncadd.s32 $0xFFFFFFC0  }
0x25: {  	_ =	swait.ge [sflag:s24], $0x40  }
0x26: {  	[sflag:s24] =	ssyncset.done $0x0  }
0x27: {  	s15 =	simm.s32 $0x2C0;
	[sflag:s24] =	ssyncadd.s32 $0xFFFFFFC0  }
0x28: {  	[tilespmem:s15], [sflag:$0x2] =	stream.indirect.gather [hbm4b:s8+s26], $0x40, s5, s26, $0xb8;
	[tilespmem:$0x18640] =	vst v63  }
0x29: {  	s23 =	simm.s32 $0x22C0  }
0x2a: {  	[tilespmem:s23], [sflag:$0x2] =	stream.indirect.gather [hbm4b:s8+s26], $0x40, s26, s26, $0xb8;
	[tilespmem:$0x18640] =	vst v63  }
0x2b: {  	s24 =	simm.s32 $0x100;
	s15 =	simm.s32 $0x42C0  }
0x2c: {  	[tilespmem:s15], [sflag:$0x2] =	stream.indirect.gather [hbm4b:s8+s26], $0x40, s24, s26, $0xb8;
	[tilespmem:$0x18640] =	vst v63  }
0x2d: {  	s23 =	simm.s32 $0x180;
	s24 =	simm.s32 $0x62C0  }
0x2e: {  	[tilespmem:s24], [sflag:$0x2] =	stream.indirect.gather [hbm4b:s8+s26], $0x40, s23, s26, $0xb8;
	[tilespmem:$0x18640] =	vst v63  }
0x2f: {  	s15 =	simm.s32 $0x200;
	s23 =	simm.s32 $0x82C0  }
0x30: {  	[tilespmem:s23], [sflag:$0x2] =	stream.indirect.gather [hbm4b:s8+s2], $0x40, s15, s2, $0xb8;
	[tilespmem:$0x18640] =	vst v63  }
0x31: {  	s24 =	simm.s32 $0x92C0  }
0x32: {  	[tilespmem:s24], [sflag:$0x2] =	stream.indirect.gather [hbm4b:s9+s2], $0x40, s13, s2, $0xb8;
	[tilespmem:$0x18640] =	vst v63  }
0x33: {  	s13 =	simm.s32 $0xA2C0  }
0x34: {  	[tilespmem:s13], [sflag:$0x2] =	stream.indirect.gather [hbm4b:s10+s2], $0x40, s14, s2, $0xb8;
	[tilespmem:$0x18640] =	vst v63  }
0x35: {  	s15 =	rddreg [dreg:$0x8]  }
0x36: {  	[tilespmem:s31], [sflag:$0x4] =	stream.linear.gather [hbm4b:s15+s5], $0x240, $0x38;
	[tilespmem:$0x18640] =	vst v63  }
0x37: {  	s23 =	rddreg [dreg:$0x9]  }
0x38: {  	[tilespmem:s0], [sflag:$0x4] =	stream.linear.gather [hbm4b:s23+s5], $0x40, $0x38;
	[tilespmem:$0x18640] =	vst v63  }
0x39: {  	s24 =	rddreg [dreg:$0xa]  }
0x3a: {  	[tilespmem:s4], [sflag:$0x4] =	stream.linear.gather [hbm4b:s24+s5], $0x40, $0x38;
	[tilespmem:$0x18640] =	vst v63  }
0x3b: {  	v0 =	vld [tilespmem:$0x18600]  }
0x3c: {  	v1 =	vld [tilespmem:$0x18610]  }
0x3d: {  	v2 =	vld [tilespmem:$0x18620]  }
0x3e: {  	v3 =	vld [tilespmem:$0x18630];
	_ =	sdelay $0x1  }
0x3f: {  	[tilespmem:$0xB2C0] =	vst v0  }
0x40: {  	[tilespmem:$0xB2D0] =	vst v1  }
0x41: {  	[tilespmem:$0xB2E0] =	vst v2  }
0x42: {  	s30 =	simm.s32 $0x0;
	[tilespmem:$0xB2F0] =	vst v3  }
.LBB2_2:
0x43: {  	_ =	swait.ge [sflag:s21], $0x240  }
0x44: {  	[sflag:s21] =	ssyncset.done $0x0  }
0x45: {  	[sflag:s21] =	ssyncadd.s32 $0xFFFFFDC0  }
0x46: {  	_ =	swait.ge [sflag:s21], $0x40  }
0x47: {  	[sflag:s21] =	ssyncset.done $0x0  }
0x48: {  	[sflag:s21] =	ssyncadd.s32 $0xFFFFFFC0  }
0x49: {  	_ =	swait.ge [sflag:s21], $0x40  }
0x4a: {  	[sflag:s21] =	ssyncset.done $0x0  }
0x4b: {  	s12 =	simm.s32 $0xC5C0;
	[sflag:s21] =	ssyncadd.s32 $0xFFFFFFC0  }
0x4c: {  	[tilespmem:s12], [sflag:$0x5] =	stream.indirect.gather [hbm4b:s8+s26], $0x40, s31, s26, $0xb8;
	[tilespmem:$0x18640] =	vst v63  }
0x4d: {  	s15 =	simm.s32 $0xC380;
	s13 =	simm.s32 $0xE5C0  }
0x4e: {  	[tilespmem:s13], [sflag:$0x5] =	stream.indirect.gather [hbm4b:s8+s26], $0x40, s15, s26, $0xb8;
	[tilespmem:$0x18640] =	vst v63  }
0x4f: {  	s23 =	simm.s32 $0xC400;
	s24 =	simm.s32 $0x105C0  }
0x50: {  	[tilespmem:s24], [sflag:$0x5] =	stream.indirect.gather [hbm4b:s8+s26], $0x40, s23, s26, $0xb8;
	[tilespmem:$0x18640] =	vst v63  }
0x51: {  	s14 =	simm.s32 $0xC480;
	s15 =	simm.s32 $0x125C0  }
0x52: {  	[tilespmem:s15], [sflag:$0x5] =	stream.indirect.gather [hbm4b:s8+s26], $0x40, s14, s26, $0xb8;
	[tilespmem:$0x18640] =	vst v63  }
0x53: {  	s23 =	simm.s32 $0xC500;
	s24 =	simm.s32 $0x145C0  }
0x54: {  	[tilespmem:s24], [sflag:$0x5] =	stream.indirect.gather [hbm4b:s8+s2], $0x40, s23, s2, $0xb8;
	[tilespmem:$0x18640] =	vst v63  }
0x55: {  	_ = 	snop  }
0x56: {  	[tilespmem:s16], [sflag:$0x5] =	stream.indirect.gather [hbm4b:s9+s2], $0x40, s0, s2, $0xb8;
	[tilespmem:$0x18640] =	vst v63  }
0x57: {  	_ = 	snop  }
0x58: {  	[tilespmem:s20], [sflag:$0x5] =	stream.indirect.gather [hbm4b:s10+s2], $0x40, s4, s2, $0xb8;
	[tilespmem:$0x18640] =	vst v63  }
0x59: {  	_ =	swait.ge [sflag:s11], $0x2000  }
0x5a: {  	[sflag:s11] =	ssyncset.done $0x0  }
0x5b: {  	[sflag:s11] =	ssyncadd.s32 $0xFFFFE000  }
0x5c: {  	_ =	swait.ge [sflag:s11], $0x2000  }
0x5d: {  	[sflag:s11] =	ssyncset.done $0x0  }
0x5e: {  	[sflag:s11] =	ssyncadd.s32 $0xFFFFE000  }
0x5f: {  	_ =	swait.ge [sflag:s11], $0x2000  }
0x60: {  	[sflag:s11] =	ssyncset.done $0x0  }
0x61: {  	[sflag:s11] =	ssyncadd.s32 $0xFFFFE000  }
0x62: {  	_ =	swait.ge [sflag:s11], $0x2000  }
0x63: {  	[sflag:s11] =	ssyncset.done $0x0  }
0x64: {  	[sflag:s11] =	ssyncadd.s32 $0xFFFFE000  }
0x65: {  	_ =	swait.ge [sflag:s11], $0x1000  }
0x66: {  	[sflag:s11] =	ssyncset.done $0x0  }
0x67: {  	[sflag:s11] =	ssyncadd.s32 $0xFFFFF000  }
0x68: {  	_ =	swait.ge [sflag:s11], $0x1000  }
0x69: {  	p0 =	seq.s32 s30, $0x1F;
	[sflag:s11] =	ssyncset.done $0x0  }
0x6a: {  	s12 =	sadd.s32 @!p0 s30, s18;
	[sflag:s11] =	ssyncadd.s32 $0xFFFFF000  }
0x6b: {  	p1 =	seq.s32 @!p0 s30, $0x0;
	s13 =	smul.u32 @!p0 $0x90, s12;
	_ =	swait.ge [sflag:s11], $0x1000  }
0x6c: {  	p1 =	por p0, !p1;
	s12 =	sshll.u32 @!p0 s12, $0x4;
	[sflag:s11] =	ssyncset.done $0x0  }
0x6d: {  	s13 =	sadd.s32 @!p0 s6, s13;
	s14 =	simm.s32 @!p0 $0x0;
	[sflag:s11] =	ssyncadd.s32 $0xFFFFF000  }
0x6e: {  	[tilespmem:s14], [sflag:$0x1] =	stream.linear.gather @!p0 [hbm4b:s13+s14], $0x240, $0x38;
	[tilespmem:$0x18640] =	vst v63  }
.Ltmp0:
0x6f: {  	s12 =	sand.u32 @!p0 $0x1FFFFFF0, s12;
	(pc) =	sbr.rel @!p1 .LBB2_3-.Ltmp0, $4  }
0x70: {  	s15 =	simm.s32 @!p0 $0x240;
	s13 =	sadd.s32 @!p0 s1, s12  }
0x71: {  	[tilespmem:s15], [sflag:$0x1] =	stream.linear.gather @!p0 [hbm4b:s13+s14], $0x40, $0x38;
	[tilespmem:$0x18640] =	vst v63  }
0x72: {  	s23 =	sor.u32 @!p0 s17, s30;
	s12 =	sadd.s32 @!p0 s7, s12;
	s13 =	simm.s32 @!p0 $0x280  }
0x73: {  	[tilespmem:s13], [sflag:$0x1] =	stream.linear.gather @!p0 [hbm4b:s12+s14], $0x40, $0x38;
	[tilespmem:$0x18640] =	vst v63  }
.Ltmp1:
0x74: {  	(pc) =	sbr.rel .LBB2_5-.Ltmp1, $4  }
0x75: {  	_ = 	snop  }
0x76: {  	_ =	swait.ge [sflag:s29], $0x1040  }
0x77: {  	[sflag:s29] =	ssyncset.done $0x0  }
0x78: {  	s23 =	smov.u32 @p0 s19;
	p1 =	por $0x0, $0x0;
	[sflag:s29] =	ssyncadd.s32 $0xFFFFEFC0  }
.LBB2_3:
0x79: {  	p1 =	por @!p0 $0x1, $0x1  }
.LBB2_5:
0x7a: {  	s24 =	simm.s32 $0x0  }
0x7b: {  	v0 =	vld [tilespmem:s24+$0x92C0]  }
0x7c: {  	v1 =	vld [tilespmem:s24+$0xA2C0]  }
0x7d: {  	s12 =	simm.s32 $0x3E0  }
0x7e: {  	v2 =	vld [tilespmem:s12+$0xFFFFFEE0];
	_ =	sdelay $0x1  }
0x7f: {  	v3 =	vld [tilespmem:s12+$0xFFFFFF20]  }
0x80: {  	v0 =	vadd.f32 v1, v0  }
0x81: {  	v1 =	vld [tilespmem:s12+$0xFFFFFF60]  }
0x82: {  	v0 =	vadd.f32 v2, v0  }
0x83: {  	v2 =	vld [tilespmem:s12+$0xFFFFFFA0]  }
0x84: {  	v0 =	vadd.f32 v3, v0  }
0x85: {  	v3 =	vld [tilespmem:s12+$0xFFFFFFE0]  }
0x86: {  	v0 =	vadd.f32 v1, v0  }
0x87: {  	v1 =	vld [tilespmem:s12+$0x20]  }
0x88: {  	v0 =	vadd.f32 v2, v0  }
0x89: {  	v2 =	vld [tilespmem:s12+$0x60]  }
0x8a: {  	v0 =	vadd.f32 v3, v0  }
0x8b: {  	v3 =	vld [tilespmem:s12+$0xA0]  }
0x8c: {  	v0 =	vadd.f32 v1, v0  }
0x8d: {  	v1 =	vld [tilespmem:s12+$0xE0]  }
0x8e: {  	v0 =	vadd.f32 v2, v0;
	_ =	sdelay $0x1  }
0x8f: {  	v0 =	vadd.f32 v3, v0;
	_ =	sdelay $0x1  }
0x90: {  	v2 =	vld [tilespmem:s24+$0x92D0];
	v0 =	vadd.f32 v1, v0  }
0x91: {  	v1 =	vld [tilespmem:s24+$0xA2D0]  }
0x92: {  	[tilespmem:s24+$0xB300] =	vst v0  }
0x93: {  	v0 =	vld [tilespmem:s12+$0xFFFFFEF0];
	_ =	sdelay $0x1  }
0x94: {  	v5 =	vld [tilespmem:s12+$0xFFFFFF30]  }
0x95: {  	v1 =	vadd.f32 v1, v2  }
0x96: {  	v2 =	vld [tilespmem:s12+$0xFFFFFF70]  }
0x97: {  	v0 =	vadd.f32 v0, v1  }
0x98: {  	v1 =	vld [tilespmem:s12+$0xFFFFFFB0]  }
0x99: {  	v0 =	vadd.f32 v5, v0  }
0x9a: {  	v62 =	vld [tilespmem:s12+$0xFFFFFFF0]  }
0x9b: {  	v0 =	vadd.f32 v2, v0  }
0x9c: {  	v2 =	vld [tilespmem:s12+$0x30]  }
0x9d: {  	v0 =	vadd.f32 v1, v0  }
0x9e: {  	v1 =	vld [tilespmem:s12+$0x70]  }
0x9f: {  	v0 =	vadd.f32 v62, v0  }
0xa0: {  	v63 =	vld [tilespmem:s12+$0xB0]  }
0xa1: {  	v0 =	vadd.f32 v2, v0  }
0xa2: {  	v2 =	vld [tilespmem:s12+$0xF0]  }
0xa3: {  	v0 =	vadd.f32 v1, v0;
	_ =	sdelay $0x1  }
0xa4: {  	v0 =	vadd.f32 v63, v0;
	_ =	sdelay $0x1  }
0xa5: {  	v3 =	vld [tilespmem:s24+$0x92E0];
	v0 =	vadd.f32 v2, v0  }
0xa6: {  	v1 =	vld [tilespmem:s24+$0xA2E0]  }
0xa7: {  	[tilespmem:s24+$0xB310] =	vst v0  }
0xa8: {  	v0 =	vld [tilespmem:s12+$0xFFFFFF00];
	_ =	sdelay $0x1  }
0xa9: {  	v2 =	vld [tilespmem:s12+$0xFFFFFF40]  }
0xaa: {  	v1 =	vadd.f32 v1, v3  }
0xab: {  	v3 =	vld [tilespmem:s12+$0xFFFFFF80]  }
0xac: {  	v0 =	vadd.f32 v0, v1  }
0xad: {  	v1 =	vld [tilespmem:s12+$0xFFFFFFC0]  }
0xae: {  	v0 =	vadd.f32 v2, v0  }
0xaf: {  	v2 =	vld [tilespmem:s12+$0x0]  }
0xb0: {  	v0 =	vadd.f32 v3, v0  }
0xb1: {  	v3 =	vld [tilespmem:s12+$0x40]  }
0xb2: {  	v0 =	vadd.f32 v1, v0  }
0xb3: {  	v1 =	vld [tilespmem:s12+$0x80]  }
0xb4: {  	v0 =	vadd.f32 v2, v0  }
0xb5: {  	v2 =	vld [tilespmem:s12+$0xC0]  }
0xb6: {  	v0 =	vadd.f32 v3, v0  }
0xb7: {  	v3 =	vld [tilespmem:s12+$0x100]  }
0xb8: {  	v0 =	vadd.f32 v1, v0;
	_ =	sdelay $0x1  }
0xb9: {  	v0 =	vadd.f32 v2, v0;
	_ =	sdelay $0x1  }
0xba: {  	v4 =	vld [tilespmem:s24+$0x92F0];
	v0 =	vadd.f32 v3, v0  }
0xbb: {  	v1 =	vld [tilespmem:s24+$0xA2F0]  }
0xbc: {  	[tilespmem:s24+$0xB320] =	vst v0  }
0xbd: {  	v0 =	vld [tilespmem:s12+$0xFFFFFF10];
	_ =	sdelay $0x1  }
0xbe: {  	v2 =	vld [tilespmem:s12+$0xFFFFFF50]  }
0xbf: {  	v1 =	vadd.f32 v1, v4  }
0xc0: {  	v3 =	vld [tilespmem:s12+$0xFFFFFF90]  }
0xc1: {  	v0 =	vadd.f32 v0, v1  }
0xc2: {  	v1 =	vld [tilespmem:s12+$0xFFFFFFD0]  }
0xc3: {  	v0 =	vadd.f32 v2, v0  }
0xc4: {  	v2 =	vld [tilespmem:s12+$0x10]  }
0xc5: {  	v0 =	vadd.f32 v3, v0  }
0xc6: {  	v3 =	vld [tilespmem:s12+$0x50]  }
0xc7: {  	v0 =	vadd.f32 v1, v0  }
0xc8: {  	v1 =	vld [tilespmem:s12+$0x90]  }
0xc9: {  	v0 =	vadd.f32 v2, v0  }
0xca: {  	v2 =	vld [tilespmem:s12+$0xD0]  }
0xcb: {  	v0 =	vadd.f32 v3, v0  }
0xcc: {  	v3 =	vld [tilespmem:s12+$0x110]  }
0xcd: {  	v0 =	vadd.f32 v1, v0;
	_ =	sdelay $0x1  }
0xce: {  	v1 =	vadd.f32 v2, v0  }
0xcf: {  	s15 =	simm.s32 $0x40  }
0xd0: {  	s13 =	simm.s32 $0x200;
	v0 =	vld [tilespmem:s15+$0x92C0];
	v1 =	vadd.f32 v3, v1  }
.LBB2_6:
0xd1: {  	p2 =	sne.s32 s13, $0x3F00  }
0xd2: {  	v2 =	vld [tilespmem:s15+$0xA2C0];
	s12 =	sadd.s32 $0x240, s12;
	s14 =	smov.u32 s13;
	s13 =	sadd.s32 $0x100, s13  }
0xd3: {  	v3 =	vld [tilespmem:s15+$0x92D0];
	[tilespmem:s24+$0xB330] =	vst v1;
	s24 =	smov.u32 s15  }
0xd4: {  	v1 =	vld [tilespmem:s12+$0xFFFFFEE0]  }
0xd5: {  	v4 =	vld [tilespmem:s12+$0xFFFFFF20]  }
0xd6: {  	v5 =	vld [tilespmem:s24+$0x92E0]  }
0xd7: {  	v2 =	vadd.f32 v2, v0;
	v6 =	vld [tilespmem:s12+$0xFFFFFF60]  }
0xd8: {  	v0 =	vld [tilespmem:s24+$0x92F0]  }
0xd9: {  	v1 =	vadd.f32 v1, v2;
	v2 =	vld [tilespmem:s12+$0xFFFFFFA0];
	_ =	sdelay $0x1  }
0xda: {  	v1 =	vadd.f32 v4, v1;
	v4 =	vld [tilespmem:s12+$0xFFFFFFE0];
	_ =	sdelay $0x1  }
0xdb: {  	v1 =	vadd.f32 v6, v1;
	v6 =	vld [tilespmem:s12+$0x20];
	_ =	sdelay $0x1  }
0xdc: {  	v1 =	vadd.f32 v2, v1;
	v2 =	vld [tilespmem:s12+$0x60];
	_ =	sdelay $0x1  }
0xdd: {  	v1 =	vadd.f32 v4, v1;
	v4 =	vld [tilespmem:s12+$0xA0];
	_ =	sdelay $0x1  }
0xde: {  	v1 =	vadd.f32 v6, v1;
	v6 =	vld [tilespmem:s12+$0xE0];
	_ =	sdelay $0x1  }
0xdf: {  	v1 =	vadd.f32 v2, v1;
	_ =	sdelay $0x1  }
0xe0: {  	v1 =	vadd.f32 v4, v1;
	_ =	sdelay $0x1  }
0xe1: {  	v1 =	vadd.f32 v6, v1;
	v2 =	vld [tilespmem:s24+$0xA2D0];
	_ =	sdelay $0x1  }
0xe2: {  	[tilespmem:s24+$0xB300] =	vst v1  }
0xe3: {  	v1 =	vld [tilespmem:s12+$0xFFFFFEF0]  }
0xe4: {  	v4 =	vld [tilespmem:s12+$0xFFFFFF30]  }
0xe5: {  	v2 =	vadd.f32 v2, v3  }
0xe6: {  	v3 =	vld [tilespmem:s12+$0xFFFFFF70];
	_ =	sdelay $0x1  }
0xe7: {  	v1 =	vadd.f32 v1, v2;
	v2 =	vld [tilespmem:s12+$0xFFFFFFB0];
	_ =	sdelay $0x1  }
0xe8: {  	v1 =	vadd.f32 v4, v1;
	v4 =	vld [tilespmem:s12+$0xFFFFFFF0];
	_ =	sdelay $0x1  }
0xe9: {  	v1 =	vadd.f32 v3, v1;
	v3 =	vld [tilespmem:s12+$0x30];
	_ =	sdelay $0x1  }
0xea: {  	v1 =	vadd.f32 v2, v1;
	v2 =	vld [tilespmem:s12+$0x70];
	_ =	sdelay $0x1  }
0xeb: {  	v1 =	vadd.f32 v4, v1;
	v4 =	vld [tilespmem:s12+$0xB0];
	_ =	sdelay $0x1  }
0xec: {  	v1 =	vadd.f32 v3, v1;
	v3 =	vld [tilespmem:s12+$0xF0];
	_ =	sdelay $0x1  }
0xed: {  	v1 =	vadd.f32 v2, v1;
	_ =	sdelay $0x1  }
0xee: {  	v1 =	vadd.f32 v4, v1;
	_ =	sdelay $0x1  }
0xef: {  	v1 =	vadd.f32 v3, v1;
	v2 =	vld [tilespmem:s24+$0xA2E0];
	_ =	sdelay $0x1  }
0xf0: {  	[tilespmem:s24+$0xB310] =	vst v1  }
0xf1: {  	v1 =	vld [tilespmem:s12+$0xFFFFFF00]  }
0xf2: {  	v3 =	vld [tilespmem:s12+$0xFFFFFF40]  }
0xf3: {  	v2 =	vadd.f32 v2, v5  }
0xf4: {  	v4 =	vld [tilespmem:s12+$0xFFFFFF80];
	_ =	sdelay $0x1  }
0xf5: {  	v1 =	vadd.f32 v1, v2;
	v2 =	vld [tilespmem:s12+$0xFFFFFFC0];
	_ =	sdelay $0x1  }
0xf6: {  	v1 =	vadd.f32 v3, v1;
	v3 =	vld [tilespmem:s12+$0x0];
	_ =	sdelay $0x1  }
0xf7: {  	v1 =	vadd.f32 v4, v1;
	v4 =	vld [tilespmem:s12+$0x40];
	_ =	sdelay $0x1  }
0xf8: {  	v1 =	vadd.f32 v2, v1;
	v2 =	vld [tilespmem:s12+$0x80];
	_ =	sdelay $0x1  }
0xf9: {  	v1 =	vadd.f32 v3, v1;
	v3 =	vld [tilespmem:s12+$0xC0];
	_ =	sdelay $0x1  }
0xfa: {  	v1 =	vadd.f32 v4, v1;
	v4 =	vld [tilespmem:s12+$0x100];
	_ =	sdelay $0x1  }
0xfb: {  	v1 =	vadd.f32 v2, v1;
	_ =	sdelay $0x1  }
0xfc: {  	v1 =	vadd.f32 v3, v1;
	_ =	sdelay $0x1  }
0xfd: {  	v1 =	vadd.f32 v4, v1;
	v2 =	vld [tilespmem:s24+$0xA2F0];
	_ =	sdelay $0x1  }
0xfe: {  	[tilespmem:s24+$0xB320] =	vst v1  }
0xff: {  	v1 =	vld [tilespmem:s12+$0xFFFFFF10]  }
0x100: {  	v3 =	vld [tilespmem:s12+$0xFFFFFF50]  }
0x101: {  	v0 =	vadd.f32 v2, v0;
	v2 =	vld [tilespmem:s12+$0xFFFFFF90]  }
0x102: {  	v4 =	vld [tilespmem:s12+$0xFFFFFFD0]  }
0x103: {  	v5 =	vld [tilespmem:s12+$0x10]  }
0x104: {  	v0 =	vadd.f32 v1, v0;
	v1 =	vld [tilespmem:s12+$0x50]  }
0x105: {  	v6 =	vld [tilespmem:s12+$0x90]  }
0x106: {  	v0 =	vadd.f32 v3, v0;
	v3 =	vld [tilespmem:s12+$0xD0]  }
0x107: {  	v7 =	vld [tilespmem:s12+$0x110]  }
0x108: {  	v0 =	vadd.f32 v2, v0;
	_ =	sdelay $0x1  }
0x109: {  	v0 =	vadd.f32 v4, v0;
	_ =	sdelay $0x1  }
0x10a: {  	v0 =	vadd.f32 v5, v0;
	_ =	sdelay $0x1  }
0x10b: {  	v0 =	vadd.f32 v1, v0;
	_ =	sdelay $0x1  }
.Ltmp2:
0x10c: {  	v0 =	vadd.f32 v6, v0;
	(pc) =	sbr.rel @p2 .LBB2_6-.Ltmp2, $4  }
0x10d: {  	_ = 	snop  }
0x10e: {  	v1 =	vadd.f32 v3, v0  }
0x10f: {  	s15 =	sshra.s32 s14, $0x2  }
0x110: {  	v0 =	vld [tilespmem:s15+$0x92C0];
	v1 =	vadd.f32 v7, v1  }
0x111: {  	v2 =	vld [tilespmem:s15+$0xA2C0]  }
0x112: {  	v3 =	vld [tilespmem:s15+$0x92D0];
	s12 =	sadd.s32 $0x240, s12;
	[tilespmem:s24+$0xB330] =	vst v1  }
0x113: {  	v1 =	vld [tilespmem:s12+$0xFFFFFEE0];
	_ =	sdelay $0x1  }
0x114: {  	v4 =	vld [tilespmem:s12+$0xFFFFFF20]  }
0x115: {  	v0 =	vadd.f32 v2, v0  }
0x116: {  	v2 =	vld [tilespmem:s12+$0xFFFFFF60]  }
0x117: {  	v0 =	vadd.f32 v1, v0  }
0x118: {  	v1 =	vld [tilespmem:s12+$0xFFFFFFA0]  }
0x119: {  	v0 =	vadd.f32 v4, v0  }
0x11a: {  	v55 =	vld [tilespmem:s12+$0xFFFFFFE0]  }
0x11b: {  	v0 =	vadd.f32 v2, v0  }
0x11c: {  	v2 =	vld [tilespmem:s12+$0x20]  }
0x11d: {  	v0 =	vadd.f32 v1, v0  }
0x11e: {  	v1 =	vld [tilespmem:s12+$0x60]  }
0x11f: {  	v0 =	vadd.f32 v55, v0  }
0x120: {  	v56 =	vld [tilespmem:s12+$0xA0]  }
0x121: {  	v0 =	vadd.f32 v2, v0  }
0x122: {  	v2 =	vld [tilespmem:s12+$0xE0]  }
0x123: {  	v0 =	vadd.f32 v1, v0;
	_ =	sdelay $0x1  }
0x124: {  	v0 =	vadd.f32 v56, v0;
	_ =	sdelay $0x1  }
0x125: {  	v0 =	vadd.f32 v2, v0  }
0x126: {  	v2 =	vld [tilespmem:s15+$0xA2D0]  }
0x127: {  	[tilespmem:s15+$0xB300] =	vst v0  }
0x128: {  	v0 =	vld [tilespmem:s12+$0xFFFFFEF0];
	_ =	sdelay $0x1  }
0x129: {  	v5 =	vld [tilespmem:s12+$0xFFFFFF30]  }
0x12a: {  	v2 =	vadd.f32 v2, v3  }
0x12b: {  	v3 =	vld [tilespmem:s12+$0xFFFFFF70]  }
0x12c: {  	v0 =	vadd.f32 v0, v2  }
0x12d: {  	v2 =	vld [tilespmem:s12+$0xFFFFFFB0]  }
0x12e: {  	v0 =	vadd.f32 v5, v0  }
0x12f: {  	v58 =	vld [tilespmem:s12+$0xFFFFFFF0]  }
0x130: {  	v0 =	vadd.f32 v3, v0  }
0x131: {  	v3 =	vld [tilespmem:s12+$0x30]  }
0x132: {  	v0 =	vadd.f32 v2, v0  }
0x133: {  	v2 =	vld [tilespmem:s12+$0x70]  }
0x134: {  	v0 =	vadd.f32 v58, v0  }
0x135: {  	v59 =	vld [tilespmem:s12+$0xB0]  }
0x136: {  	v0 =	vadd.f32 v3, v0  }
0x137: {  	v3 =	vld [tilespmem:s12+$0xF0]  }
0x138: {  	v0 =	vadd.f32 v2, v0;
	_ =	sdelay $0x1  }
0x139: {  	v0 =	vadd.f32 v59, v0;
	_ =	sdelay $0x1  }
0x13a: {  	v1 =	vld [tilespmem:s15+$0x92E0];
	v0 =	vadd.f32 v3, v0  }
0x13b: {  	v2 =	vld [tilespmem:s15+$0xA2E0]  }
0x13c: {  	[tilespmem:s15+$0xB310] =	vst v0  }
0x13d: {  	v0 =	vld [tilespmem:s12+$0xFFFFFF00];
	_ =	sdelay $0x1  }
0x13e: {  	v3 =	vld [tilespmem:s12+$0xFFFFFF40]  }
0x13f: {  	v1 =	vadd.f32 v2, v1  }
0x140: {  	v2 =	vld [tilespmem:s12+$0xFFFFFF80]  }
0x141: {  	v0 =	vadd.f32 v0, v1  }
0x142: {  	v1 =	vld [tilespmem:s12+$0xFFFFFFC0]  }
0x143: {  	v0 =	vadd.f32 v3, v0  }
0x144: {  	v3 =	vld [tilespmem:s12+$0x0]  }
0x145: {  	v0 =	vadd.f32 v2, v0  }
0x146: {  	v2 =	vld [tilespmem:s12+$0x40]  }
0x147: {  	v0 =	vadd.f32 v1, v0  }
0x148: {  	v1 =	vld [tilespmem:s12+$0x80]  }
0x149: {  	v0 =	vadd.f32 v3, v0  }
0x14a: {  	v3 =	vld [tilespmem:s12+$0xC0]  }
0x14b: {  	v0 =	vadd.f32 v2, v0  }
0x14c: {  	v2 =	vld [tilespmem:s12+$0x100]  }
0x14d: {  	v0 =	vadd.f32 v1, v0;
	_ =	sdelay $0x1  }
0x14e: {  	v0 =	vadd.f32 v3, v0;
	_ =	sdelay $0x1  }
0x14f: {  	v57 =	vld [tilespmem:s15+$0x92F0];
	v0 =	vadd.f32 v2, v0  }
0x150: {  	v1 =	vld [tilespmem:s15+$0xA2F0]  }
0x151: {  	[tilespmem:s15+$0xB320] =	vst v0  }
0x152: {  	v0 =	vld [tilespmem:s12+$0xFFFFFF10];
	_ =	sdelay $0x1  }
0x153: {  	v2 =	vld [tilespmem:s12+$0xFFFFFF50]  }
0x154: {  	v1 =	vadd.f32 v1, v57  }
0x155: {  	v3 =	vld [tilespmem:s12+$0xFFFFFF90]  }
0x156: {  	v0 =	vadd.f32 v0, v1  }
0x157: {  	v1 =	vld [tilespmem:s12+$0xFFFFFFD0]  }
0x158: {  	v0 =	vadd.f32 v2, v0  }
0x159: {  	v2 =	vld [tilespmem:s12+$0x10]  }
0x15a: {  	v0 =	vadd.f32 v3, v0  }
0x15b: {  	v3 =	vld [tilespmem:s12+$0x50]  }
0x15c: {  	v0 =	vadd.f32 v1, v0  }
0x15d: {  	v1 =	vld [tilespmem:s12+$0x90]  }
0x15e: {  	v0 =	vadd.f32 v2, v0  }
0x15f: {  	v2 =	vld [tilespmem:s12+$0xD0]  }
0x160: {  	v0 =	vadd.f32 v3, v0  }
0x161: {  	v3 =	vld [tilespmem:s12+$0x110]  }
0x162: {  	v0 =	vadd.f32 v1, v0;
	_ =	sdelay $0x1  }
0x163: {  	v0 =	vadd.f32 v2, v0;
	_ =	sdelay $0x1  }
0x164: {  	s24 =	smul.u32 $0x408, s23;
	v0 =	vadd.f32 v3, v0;
	_ =	sdelay $0x1  }
0x165: {  	s12 =	sadd.s32 s3, s24;
	[tilespmem:s15+$0xB330] =	vst v0  }
0x166: {  	[hbm4b:s12+s5] =	stream.linear.scatter [tilespmem:s22], [sflag:$0x3], $0x1040, $0x38;
	[tilespmem:$0x18640] =	vst v63  }
0x167: {  	s12 =	simm.s32 @!p0 $0x1  }
0x168: {  	_ =	swait.ge @!p0 [sflag:s12], $0x240  }
0x169: {  	[sflag:s12] =	ssyncset.done @!p0 $0x0  }
0x16a: {  	[sflag:s12] =	ssyncadd.s32 @!p0 $0xFFFFFDC0  }
0x16b: {  	_ =	swait.ge @!p0 [sflag:s12], $0x40  }
0x16c: {  	[sflag:s12] =	ssyncset.done @!p0 $0x0  }
0x16d: {  	[sflag:s12] =	ssyncadd.s32 @!p0 $0xFFFFFFC0  }
0x16e: {  	_ =	swait.ge @!p0 [sflag:s12], $0x40  }
0x16f: {  	s13 =	simm.s32 @!p0 $0x0;
	[sflag:s12] =	ssyncset.done @!p0 $0x0  }
0x170: {  	s14 =	simm.s32 @!p0 $0x2C0;
	[sflag:s12] =	ssyncadd.s32 @!p0 $0xFFFFFFC0;
	s12 =	simm.s32 @!p0 $0x80  }
0x171: {  	[tilespmem:s14], [sflag:$0x2] =	stream.indirect.gather @!p0 [hbm4b:s8+s12], $0x40, s13, s12, $0xb8;
	[tilespmem:$0x18640] =	vst v63  }
0x172: {  	s14 =	simm.s32 @!p0 $0x22C0  }
0x173: {  	[tilespmem:s14], [sflag:$0x2] =	stream.indirect.gather @!p0 [hbm4b:s8+s12], $0x40, s12, s12, $0xb8;
	[tilespmem:$0x18640] =	vst v63  }
0x174: {  	s15 =	simm.s32 @!p0 $0x42C0;
	s14 =	simm.s32 @!p0 $0x100  }
0x175: {  	[tilespmem:s15], [sflag:$0x2] =	stream.indirect.gather @!p0 [hbm4b:s8+s12], $0x40, s14, s12, $0xb8;
	[tilespmem:$0x18640] =	vst v63  }
0x176: {  	s14 =	simm.s32 @!p0 $0x180;
	s15 =	simm.s32 @!p0 $0x62C0  }
0x177: {  	[tilespmem:s15], [sflag:$0x2] =	stream.indirect.gather @!p0 [hbm4b:s8+s12], $0x40, s14, s12, $0xb8;
	[tilespmem:$0x18640] =	vst v63  }
0x178: {  	s12 =	simm.s32 @!p0 $0x40;
	s14 =	simm.s32 @!p0 $0x200;
	s15 =	simm.s32 @!p0 $0x82C0  }
0x179: {  	[tilespmem:s15], [sflag:$0x2] =	stream.indirect.gather @!p0 [hbm4b:s8+s12], $0x40, s14, s12, $0xb8;
	[tilespmem:$0x18640] =	vst v63  }
0x17a: {  	s14 =	simm.s32 @!p0 $0x240;
	s15 =	simm.s32 @!p0 $0x92C0  }
0x17b: {  	[tilespmem:s15], [sflag:$0x2] =	stream.indirect.gather @!p0 [hbm4b:s9+s12], $0x40, s14, s12, $0xb8;
	[tilespmem:$0x18640] =	vst v63  }
0x17c: {  	s14 =	simm.s32 @!p0 $0x280;
	s15 =	simm.s32 @!p0 $0xA2C0  }
0x17d: {  	[tilespmem:s15], [sflag:$0x2] =	stream.indirect.gather @!p0 [hbm4b:s10+s12], $0x40, s14, s12, $0xb8;
	[tilespmem:$0x18640] =	vst v63  }
0x17e: {  	_ =	swait.ge [sflag:s25], $0x2000  }
0x17f: {  	[sflag:s25] =	ssyncset.done $0x0  }
0x180: {  	[sflag:s25] =	ssyncadd.s32 $0xFFFFE000  }
0x181: {  	_ =	swait.ge [sflag:s25], $0x2000  }
0x182: {  	[sflag:s25] =	ssyncset.done $0x0  }
0x183: {  	[sflag:s25] =	ssyncadd.s32 $0xFFFFE000  }
0x184: {  	_ =	swait.ge [sflag:s25], $0x2000  }
0x185: {  	[sflag:s25] =	ssyncset.done $0x0  }
0x186: {  	[sflag:s25] =	ssyncadd.s32 $0xFFFFE000  }
0x187: {  	_ =	swait.ge [sflag:s25], $0x2000  }
0x188: {  	[sflag:s25] =	ssyncset.done $0x0  }
0x189: {  	[sflag:s25] =	ssyncadd.s32 $0xFFFFE000  }
0x18a: {  	_ =	swait.ge [sflag:s25], $0x1000  }
0x18b: {  	[sflag:s25] =	ssyncset.done $0x0  }
0x18c: {  	[sflag:s25] =	ssyncadd.s32 $0xFFFFF000  }
0x18d: {  	s12 =	sadd.s32 @!p0 s18, s30;
	_ =	swait.ge [sflag:s25], $0x1000  }
0x18e: {  	s14 =	smul.u32 @!p0 $0x480, s12;
	[sflag:s25] =	ssyncset.done $0x0  }
0x18f: {  	s15 =	simm.s32 @!p0 $0xC300;
	[sflag:s25] =	ssyncadd.s32 $0xFFFFF000  }
0x190: {  	s12 =	sshll.u32 @!p0 s12, $0x4;
	s14 =	sshrl.u32 @!p0 s14, $0x3;
	_ =	swait.ge [sflag:s25], $0x1000  }
0x191: {  	s12 =	sand.u32 @!p0 $0x1FFFFFF0, s12;
	s14 =	sadd.s32 @!p0 s6, s14;
	[sflag:s25] =	ssyncset.done $0x0  }
0x192: {  	s12 =	sor.u32 @!p0 $0x8, s12;
	s14 =	sadd.s32 @!p0 $0x48, s14;
	[sflag:s25] =	ssyncadd.s32 $0xFFFFF000  }
0x193: {  	[tilespmem:s15], [sflag:$0x4] =	stream.linear.gather @!p0 [hbm4b:s14+s13], $0x240, $0x38;
	[tilespmem:$0x18640] =	vst v63  }
0x194: {  	s14 =	sadd.s32 @!p0 s1, s12;
	s15 =	simm.s32 @!p0 $0xC540  }
0x195: {  	[tilespmem:s15], [sflag:$0x4] =	stream.linear.gather @!p0 [hbm4b:s14+s13], $0x40, $0x38;
	[tilespmem:$0x18640] =	vst v63  }
0x196: {  	s12 =	sadd.s32 @!p0 s7, s12;
	s14 =	simm.s32 @!p0 $0xC580  }
0x197: {  	[tilespmem:s14], [sflag:$0x4] =	stream.linear.gather @!p0 [hbm4b:s12+s13], $0x40, $0x38;
	[tilespmem:$0x18640] =	vst v63  }
0x198: {  	s12 =	simm.s32 @!p1 $0x6  }
0x199: {  	_ =	swait.ge @!p1 [sflag:s12], $0x1000  }
0x19a: {  	[sflag:s12] =	ssyncset.done @!p1 $0x0  }
0x19b: {  	s24 =	simm.s32 $0x0;
	[sflag:s12] =	ssyncadd.s32 @!p1 $0xFFFFF000  }
0x19c: {  	v0 =	vld [tilespmem:s24+$0x155C0]  }
0x19d: {  	v1 =	vld [tilespmem:s24+$0x165C0]  }
0x19e: {  	s12 =	simm.s32 $0xC6E0  }
0x19f: {  	v2 =	vld [tilespmem:s12+$0xFFFFFEE0];
	_ =	sdelay $0x1  }
0x1a0: {  	v3 =	vld [tilespmem:s12+$0xFFFFFF20]  }
0x1a1: {  	v0 =	vadd.f32 v1, v0  }
0x1a2: {  	v1 =	vld [tilespmem:s12+$0xFFFFFF60]  }
0x1a3: {  	v0 =	vadd.f32 v2, v0  }
0x1a4: {  	v2 =	vld [tilespmem:s12+$0xFFFFFFA0]  }
0x1a5: {  	v0 =	vadd.f32 v3, v0  }
0x1a6: {  	v3 =	vld [tilespmem:s12+$0xFFFFFFE0]  }
0x1a7: {  	v0 =	vadd.f32 v1, v0  }
0x1a8: {  	v1 =	vld [tilespmem:s12+$0x20]  }
0x1a9: {  	v0 =	vadd.f32 v2, v0  }
0x1aa: {  	v2 =	vld [tilespmem:s12+$0x60]  }
0x1ab: {  	v0 =	vadd.f32 v3, v0  }
0x1ac: {  	v3 =	vld [tilespmem:s12+$0xA0]  }
0x1ad: {  	v0 =	vadd.f32 v1, v0  }
0x1ae: {  	v1 =	vld [tilespmem:s12+$0xE0]  }
0x1af: {  	v0 =	vadd.f32 v2, v0;
	_ =	sdelay $0x1  }
0x1b0: {  	v0 =	vadd.f32 v3, v0;
	_ =	sdelay $0x1  }
0x1b1: {  	v2 =	vld [tilespmem:s24+$0x155D0];
	v0 =	vadd.f32 v1, v0  }
0x1b2: {  	v1 =	vld [tilespmem:s24+$0x165D0]  }
0x1b3: {  	[tilespmem:s24+$0x175C0] =	vst v0  }
0x1b4: {  	v0 =	vld [tilespmem:s12+$0xFFFFFEF0];
	_ =	sdelay $0x1  }
0x1b5: {  	v61 =	vld [tilespmem:s12+$0xFFFFFF30]  }
0x1b6: {  	v1 =	vadd.f32 v1, v2  }
0x1b7: {  	v2 =	vld [tilespmem:s12+$0xFFFFFF70]  }
0x1b8: {  	v0 =	vadd.f32 v0, v1  }
0x1b9: {  	v1 =	vld [tilespmem:s12+$0xFFFFFFB0]  }
0x1ba: {  	v0 =	vadd.f32 v61, v0  }
0x1bb: {  	v62 =	vld [tilespmem:s12+$0xFFFFFFF0]  }
0x1bc: {  	v0 =	vadd.f32 v2, v0  }
0x1bd: {  	v2 =	vld [tilespmem:s12+$0x30]  }
0x1be: {  	v0 =	vadd.f32 v1, v0  }
0x1bf: {  	v1 =	vld [tilespmem:s12+$0x70]  }
0x1c0: {  	v0 =	vadd.f32 v62, v0  }
0x1c1: {  	v63 =	vld [tilespmem:s12+$0xB0]  }
0x1c2: {  	v0 =	vadd.f32 v2, v0  }
0x1c3: {  	v2 =	vld [tilespmem:s12+$0xF0]  }
0x1c4: {  	v0 =	vadd.f32 v1, v0;
	_ =	sdelay $0x1  }
0x1c5: {  	v0 =	vadd.f32 v63, v0;
	_ =	sdelay $0x1  }
0x1c6: {  	v3 =	vld [tilespmem:s24+$0x155E0];
	v0 =	vadd.f32 v2, v0  }
0x1c7: {  	v1 =	vld [tilespmem:s24+$0x165E0]  }
0x1c8: {  	[tilespmem:s24+$0x175D0] =	vst v0  }
0x1c9: {  	v0 =	vld [tilespmem:s12+$0xFFFFFF00];
	_ =	sdelay $0x1  }
0x1ca: {  	v2 =	vld [tilespmem:s12+$0xFFFFFF40]  }
0x1cb: {  	v1 =	vadd.f32 v1, v3  }
0x1cc: {  	v3 =	vld [tilespmem:s12+$0xFFFFFF80]  }
0x1cd: {  	v0 =	vadd.f32 v0, v1  }
0x1ce: {  	v1 =	vld [tilespmem:s12+$0xFFFFFFC0]  }
0x1cf: {  	v0 =	vadd.f32 v2, v0  }
0x1d0: {  	v2 =	vld [tilespmem:s12+$0x0]  }
0x1d1: {  	v0 =	vadd.f32 v3, v0  }
0x1d2: {  	v3 =	vld [tilespmem:s12+$0x40]  }
0x1d3: {  	v0 =	vadd.f32 v1, v0  }
0x1d4: {  	v1 =	vld [tilespmem:s12+$0x80]  }
0x1d5: {  	v0 =	vadd.f32 v2, v0  }
0x1d6: {  	v2 =	vld [tilespmem:s12+$0xC0]  }
0x1d7: {  	v0 =	vadd.f32 v3, v0  }
0x1d8: {  	v3 =	vld [tilespmem:s12+$0x100]  }
0x1d9: {  	v0 =	vadd.f32 v1, v0;
	_ =	sdelay $0x1  }
0x1da: {  	v0 =	vadd.f32 v2, v0;
	_ =	sdelay $0x1  }
0x1db: {  	v60 =	vld [tilespmem:s24+$0x155F0];
	v0 =	vadd.f32 v3, v0  }
0x1dc: {  	v1 =	vld [tilespmem:s24+$0x165F0]  }
0x1dd: {  	[tilespmem:s24+$0x175E0] =	vst v0  }
0x1de: {  	v0 =	vld [tilespmem:s12+$0xFFFFFF10];
	_ =	sdelay $0x1  }
0x1df: {  	v2 =	vld [tilespmem:s12+$0xFFFFFF50]  }
0x1e0: {  	v1 =	vadd.f32 v1, v60  }
0x1e1: {  	v3 =	vld [tilespmem:s12+$0xFFFFFF90]  }
0x1e2: {  	v0 =	vadd.f32 v0, v1  }
0x1e3: {  	v1 =	vld [tilespmem:s12+$0xFFFFFFD0]  }
0x1e4: {  	v0 =	vadd.f32 v2, v0  }
0x1e5: {  	v2 =	vld [tilespmem:s12+$0x10]  }
0x1e6: {  	v0 =	vadd.f32 v3, v0  }
0x1e7: {  	v3 =	vld [tilespmem:s12+$0x50]  }
0x1e8: {  	v0 =	vadd.f32 v1, v0  }
0x1e9: {  	v1 =	vld [tilespmem:s12+$0x90]  }
0x1ea: {  	v0 =	vadd.f32 v2, v0  }
0x1eb: {  	v2 =	vld [tilespmem:s12+$0xD0]  }
0x1ec: {  	v0 =	vadd.f32 v3, v0  }
0x1ed: {  	v3 =	vld [tilespmem:s12+$0x110]  }
0x1ee: {  	v0 =	vadd.f32 v1, v0;
	_ =	sdelay $0x1  }
0x1ef: {  	v1 =	vadd.f32 v2, v0  }
0x1f0: {  	s15 =	simm.s32 $0x40  }
0x1f1: {  	s13 =	simm.s32 $0x200;
	v0 =	vld [tilespmem:s15+$0x155C0];
	v1 =	vadd.f32 v3, v1  }
.LBB2_8:
0x1f2: {  	p0 =	sne.s32 s13, $0x3F00  }
0x1f3: {  	v2 =	vld [tilespmem:s15+$0x165C0];
	s12 =	sadd.s32 $0x240, s12;
	s14 =	smov.u32 s13;
	s13 =	sadd.s32 $0x100, s13  }
0x1f4: {  	v3 =	vld [tilespmem:s15+$0x155D0];
	[tilespmem:s24+$0x175F0] =	vst v1;
	s24 =	smov.u32 s15  }
0x1f5: {  	v1 =	vld [tilespmem:s12+$0xFFFFFEE0]  }
0x1f6: {  	v4 =	vld [tilespmem:s12+$0xFFFFFF20]  }
0x1f7: {  	v5 =	vld [tilespmem:s24+$0x155E0]  }
0x1f8: {  	v2 =	vadd.f32 v2, v0;
	v6 =	vld [tilespmem:s12+$0xFFFFFF60]  }
0x1f9: {  	v0 =	vld [tilespmem:s24+$0x155F0]  }
0x1fa: {  	v1 =	vadd.f32 v1, v2;
	v2 =	vld [tilespmem:s12+$0xFFFFFFA0];
	_ =	sdelay $0x1  }
0x1fb: {  	v1 =	vadd.f32 v4, v1;
	v4 =	vld [tilespmem:s12+$0xFFFFFFE0];
	_ =	sdelay $0x1  }
0x1fc: {  	v1 =	vadd.f32 v6, v1;
	v6 =	vld [tilespmem:s12+$0x20];
	_ =	sdelay $0x1  }
0x1fd: {  	v1 =	vadd.f32 v2, v1;
	v2 =	vld [tilespmem:s12+$0x60];
	_ =	sdelay $0x1  }
0x1fe: {  	v1 =	vadd.f32 v4, v1;
	v4 =	vld [tilespmem:s12+$0xA0];
	_ =	sdelay $0x1  }
0x1ff: {  	v1 =	vadd.f32 v6, v1;
	v6 =	vld [tilespmem:s12+$0xE0];
	_ =	sdelay $0x1  }
0x200: {  	v1 =	vadd.f32 v2, v1;
	_ =	sdelay $0x1  }
0x201: {  	v1 =	vadd.f32 v4, v1;
	_ =	sdelay $0x1  }
0x202: {  	v1 =	vadd.f32 v6, v1;
	v2 =	vld [tilespmem:s24+$0x165D0];
	_ =	sdelay $0x1  }
0x203: {  	[tilespmem:s24+$0x175C0] =	vst v1  }
0x204: {  	v1 =	vld [tilespmem:s12+$0xFFFFFEF0]  }
0x205: {  	v4 =	vld [tilespmem:s12+$0xFFFFFF30]  }
0x206: {  	v2 =	vadd.f32 v2, v3  }
0x207: {  	v3 =	vld [tilespmem:s12+$0xFFFFFF70];
	_ =	sdelay $0x1  }
0x208: {  	v1 =	vadd.f32 v1, v2;
	v2 =	vld [tilespmem:s12+$0xFFFFFFB0];
	_ =	sdelay $0x1  }
0x209: {  	v1 =	vadd.f32 v4, v1;
	v4 =	vld [tilespmem:s12+$0xFFFFFFF0];
	_ =	sdelay $0x1  }
0x20a: {  	v1 =	vadd.f32 v3, v1;
	v3 =	vld [tilespmem:s12+$0x30];
	_ =	sdelay $0x1  }
0x20b: {  	v1 =	vadd.f32 v2, v1;
	v2 =	vld [tilespmem:s12+$0x70];
	_ =	sdelay $0x1  }
0x20c: {  	v1 =	vadd.f32 v4, v1;
	v4 =	vld [tilespmem:s12+$0xB0];
	_ =	sdelay $0x1  }
0x20d: {  	v1 =	vadd.f32 v3, v1;
	v3 =	vld [tilespmem:s12+$0xF0];
	_ =	sdelay $0x1  }
0x20e: {  	v1 =	vadd.f32 v2, v1;
	_ =	sdelay $0x1  }
0x20f: {  	v1 =	vadd.f32 v4, v1;
	_ =	sdelay $0x1  }
0x210: {  	v1 =	vadd.f32 v3, v1;
	v2 =	vld [tilespmem:s24+$0x165E0];
	_ =	sdelay $0x1  }
0x211: {  	[tilespmem:s24+$0x175D0] =	vst v1  }
0x212: {  	v1 =	vld [tilespmem:s12+$0xFFFFFF00]  }
0x213: {  	v3 =	vld [tilespmem:s12+$0xFFFFFF40]  }
0x214: {  	v2 =	vadd.f32 v2, v5  }
0x215: {  	v4 =	vld [tilespmem:s12+$0xFFFFFF80];
	_ =	sdelay $0x1  }
0x216: {  	v1 =	vadd.f32 v1, v2;
	v2 =	vld [tilespmem:s12+$0xFFFFFFC0];
	_ =	sdelay $0x1  }
0x217: {  	v1 =	vadd.f32 v3, v1;
	v3 =	vld [tilespmem:s12+$0x0];
	_ =	sdelay $0x1  }
0x218: {  	v1 =	vadd.f32 v4, v1;
	v4 =	vld [tilespmem:s12+$0x40];
	_ =	sdelay $0x1  }
0x219: {  	v1 =	vadd.f32 v2, v1;
	v2 =	vld [tilespmem:s12+$0x80];
	_ =	sdelay $0x1  }
0x21a: {  	v1 =	vadd.f32 v3, v1;
	v3 =	vld [tilespmem:s12+$0xC0];
	_ =	sdelay $0x1  }
0x21b: {  	v1 =	vadd.f32 v4, v1;
	v4 =	vld [tilespmem:s12+$0x100];
	_ =	sdelay $0x1  }
0x21c: {  	v1 =	vadd.f32 v2, v1;
	_ =	sdelay $0x1  }
0x21d: {  	v1 =	vadd.f32 v3, v1;
	_ =	sdelay $0x1  }
0x21e: {  	v1 =	vadd.f32 v4, v1;
	v2 =	vld [tilespmem:s24+$0x165F0];
	_ =	sdelay $0x1  }
0x21f: {  	[tilespmem:s24+$0x175E0] =	vst v1  }
0x220: {  	v1 =	vld [tilespmem:s12+$0xFFFFFF10]  }
0x221: {  	v3 =	vld [tilespmem:s12+$0xFFFFFF50]  }
0x222: {  	v0 =	vadd.f32 v2, v0;
	v2 =	vld [tilespmem:s12+$0xFFFFFF90]  }
0x223: {  	v4 =	vld [tilespmem:s12+$0xFFFFFFD0]  }
0x224: {  	v5 =	vld [tilespmem:s12+$0x10]  }
0x225: {  	v0 =	vadd.f32 v1, v0;
	v1 =	vld [tilespmem:s12+$0x50]  }
0x226: {  	v6 =	vld [tilespmem:s12+$0x90]  }
0x227: {  	v0 =	vadd.f32 v3, v0;
	v3 =	vld [tilespmem:s12+$0xD0]  }
0x228: {  	v7 =	vld [tilespmem:s12+$0x110]  }
0x229: {  	v0 =	vadd.f32 v2, v0;
	_ =	sdelay $0x1  }
0x22a: {  	v0 =	vadd.f32 v4, v0;
	_ =	sdelay $0x1  }
0x22b: {  	v0 =	vadd.f32 v5, v0;
	_ =	sdelay $0x1  }
0x22c: {  	v0 =	vadd.f32 v1, v0;
	_ =	sdelay $0x1  }
.Ltmp3:
0x22d: {  	v0 =	vadd.f32 v6, v0;
	(pc) =	sbr.rel @p0 .LBB2_8-.Ltmp3, $4  }
0x22e: {  	_ = 	snop  }
0x22f: {  	v1 =	vadd.f32 v3, v0  }
0x230: {  	s15 =	sshra.s32 s14, $0x2  }
0x231: {  	v0 =	vld [tilespmem:s15+$0x155C0];
	v1 =	vadd.f32 v7, v1  }
0x232: {  	v2 =	vld [tilespmem:s15+$0x165C0]  }
0x233: {  	v3 =	vld [tilespmem:s15+$0x155D0];
	s12 =	sadd.s32 $0x240, s12;
	[tilespmem:s24+$0x175F0] =	vst v1  }
0x234: {  	v1 =	vld [tilespmem:s12+$0xFFFFFEE0];
	_ =	sdelay $0x1  }
0x235: {  	v4 =	vld [tilespmem:s12+$0xFFFFFF20]  }
0x236: {  	v0 =	vadd.f32 v2, v0  }
0x237: {  	v29 =	vld [tilespmem:s12+$0xFFFFFF60]  }
0x238: {  	v0 =	vadd.f32 v1, v0  }
0x239: {  	v30 =	vld [tilespmem:s12+$0xFFFFFFA0]  }
0x23a: {  	v0 =	vadd.f32 v4, v0  }
0x23b: {  	v31 =	vld [tilespmem:s12+$0xFFFFFFE0]  }
0x23c: {  	v0 =	vadd.f32 v29, v0  }
0x23d: {  	v32 =	vld [tilespmem:s12+$0x20]  }
0x23e: {  	v0 =	vadd.f32 v30, v0  }
0x23f: {  	v33 =	vld [tilespmem:s12+$0x60]  }
0x240: {  	v0 =	vadd.f32 v31, v0  }
0x241: {  	v34 =	vld [tilespmem:s12+$0xA0]  }
0x242: {  	v0 =	vadd.f32 v32, v0  }
0x243: {  	v35 =	vld [tilespmem:s12+$0xE0]  }
0x244: {  	v0 =	vadd.f32 v33, v0;
	_ =	sdelay $0x1  }
0x245: {  	v0 =	vadd.f32 v34, v0;
	_ =	sdelay $0x1  }
0x246: {  	v0 =	vadd.f32 v35, v0  }
0x247: {  	v38 =	vld [tilespmem:s15+$0x165D0]  }
0x248: {  	[tilespmem:s15+$0x175C0] =	vst v0  }
0x249: {  	v0 =	vld [tilespmem:s12+$0xFFFFFEF0];
	_ =	sdelay $0x1  }
0x24a: {  	v5 =	vld [tilespmem:s12+$0xFFFFFF30]  }
0x24b: {  	v2 =	vadd.f32 v38, v3  }
0x24c: {  	v39 =	vld [tilespmem:s12+$0xFFFFFF70]  }
0x24d: {  	v0 =	vadd.f32 v0, v2  }
0x24e: {  	v40 =	vld [tilespmem:s12+$0xFFFFFFB0]  }
0x24f: {  	v0 =	vadd.f32 v5, v0  }
0x250: {  	v41 =	vld [tilespmem:s12+$0xFFFFFFF0]  }
0x251: {  	v0 =	vadd.f32 v39, v0  }
0x252: {  	v42 =	vld [tilespmem:s12+$0x30]  }
0x253: {  	v0 =	vadd.f32 v40, v0  }
0x254: {  	v43 =	vld [tilespmem:s12+$0x70]  }
0x255: {  	v0 =	vadd.f32 v41, v0  }
0x256: {  	v44 =	vld [tilespmem:s12+$0xB0]  }
0x257: {  	v0 =	vadd.f32 v42, v0  }
0x258: {  	v45 =	vld [tilespmem:s12+$0xF0]  }
0x259: {  	v0 =	vadd.f32 v43, v0;
	_ =	sdelay $0x1  }
0x25a: {  	v0 =	vadd.f32 v44, v0;
	_ =	sdelay $0x1  }
0x25b: {  	v36 =	vld [tilespmem:s15+$0x155E0];
	v0 =	vadd.f32 v45, v0  }
0x25c: {  	v46 =	vld [tilespmem:s15+$0x165E0]  }
0x25d: {  	[tilespmem:s15+$0x175D0] =	vst v0  }
0x25e: {  	v0 =	vld [tilespmem:s12+$0xFFFFFF00];
	_ =	sdelay $0x1  }
0x25f: {  	v47 =	vld [tilespmem:s12+$0xFFFFFF40]  }
0x260: {  	v1 =	vadd.f32 v46, v36  }
0x261: {  	v48 =	vld [tilespmem:s12+$0xFFFFFF80]  }
0x262: {  	v0 =	vadd.f32 v0, v1  }
0x263: {  	v49 =	vld [tilespmem:s12+$0xFFFFFFC0]  }
0x264: {  	v0 =	vadd.f32 v47, v0  }
0x265: {  	v50 =	vld [tilespmem:s12+$0x0]  }
0x266: {  	v0 =	vadd.f32 v48, v0  }
0x267: {  	v51 =	vld [tilespmem:s12+$0x40]  }
0x268: {  	v0 =	vadd.f32 v49, v0  }
0x269: {  	v52 =	vld [tilespmem:s12+$0x80]  }
0x26a: {  	v0 =	vadd.f32 v50, v0  }
0x26b: {  	v53 =	vld [tilespmem:s12+$0xC0]  }
0x26c: {  	v0 =	vadd.f32 v51, v0  }
0x26d: {  	v54 =	vld [tilespmem:s12+$0x100]  }
0x26e: {  	v0 =	vadd.f32 v52, v0;
	_ =	sdelay $0x1  }
0x26f: {  	v0 =	vadd.f32 v53, v0;
	_ =	sdelay $0x1  }
0x270: {  	v37 =	vld [tilespmem:s15+$0x155F0];
	v0 =	vadd.f32 v54, v0  }
0x271: {  	v55 =	vld [tilespmem:s15+$0x165F0]  }
0x272: {  	[tilespmem:s15+$0x175E0] =	vst v0  }
0x273: {  	v0 =	vld [tilespmem:s12+$0xFFFFFF10];
	_ =	sdelay $0x1  }
0x274: {  	v56 =	vld [tilespmem:s12+$0xFFFFFF50]  }
0x275: {  	v1 =	vadd.f32 v55, v37  }
0x276: {  	v57 =	vld [tilespmem:s12+$0xFFFFFF90]  }
0x277: {  	v0 =	vadd.f32 v0, v1  }
0x278: {  	v58 =	vld [tilespmem:s12+$0xFFFFFFD0]  }
0x279: {  	v0 =	vadd.f32 v56, v0  }
0x27a: {  	v59 =	vld [tilespmem:s12+$0x10]  }
0x27b: {  	v0 =	vadd.f32 v57, v0  }
0x27c: {  	v60 =	vld [tilespmem:s12+$0x50]  }
0x27d: {  	v0 =	vadd.f32 v58, v0  }
0x27e: {  	v61 =	vld [tilespmem:s12+$0x90]  }
0x27f: {  	v0 =	vadd.f32 v59, v0  }
0x280: {  	v62 =	vld [tilespmem:s12+$0xD0]  }
0x281: {  	v0 =	vadd.f32 v60, v0  }
0x282: {  	v63 =	vld [tilespmem:s12+$0x110]  }
0x283: {  	v0 =	vadd.f32 v61, v0  }
0x284: {  	s30 =	sadd.s32 $0x1, s30  }
0x285: {  	s24 =	smul.u32 $0x2040, s23;
	p0 =	sne.s32 s30, $0x20;
	v0 =	vadd.f32 v62, v0  }
.Ltmp4:
0x286: {  	_ = 	snop;
	(pc) =	sbr.rel @p0 .LBB2_2-.Ltmp4, $4  }
0x287: {  	s12 =	sshrl.u32 s24, $0x3;
	v0 =	vadd.f32 v63, v0  }
0x288: {  	s12 =	sadd.s32 s3, s12  }
0x289: {  	s12 =	sadd.s32 $0x208, s12;
	[tilespmem:s15+$0x175F0] =	vst v0  }
0x28a: {  	[hbm4b:s12+s5] =	stream.linear.scatter [tilespmem:s28], [sflag:$0x6], $0x1000, $0x38;
	[tilespmem:$0x18640] =	vst v63  }
0x28b: {  	_ =	swait.ge [sflag:s29], $0x1040  }
0x28c: {  	[sflag:s29] =	ssyncset.done $0x0  }
0x28d: {  	s13 =	simm.s32 $0x6;
	[sflag:s29] =	ssyncadd.s32 $0xFFFFEFC0  }
0x28e: {  	_ =	swait.ge [sflag:s13], $0x1000  }
0x28f: {  	s14 =	rddreg [dreg:$0xc]  }
0x290: {  	s12 =	rddreg [dreg:$0xb];
	s14 =	sadd.s32 $0x1, s14  }
0x291: {  	p0 =	sne.s32 s14, s12  }
.Ltmp5:
0x292: {  	_ = 	snop;
	(pc) =	sbr.rel @p0 .LBB2_1-.Ltmp5, $3  }
0x293: {  	_ =	sdelay $0x1  }
0x294: {  	[sflag:s13] =	ssyncset.done $0x0  }
0x295: {  	[sflag:s13] =	ssyncadd.s32 $0xFFFFF000  }
0x296: {  	_ =	sfence.sel $0x180000  }
0x297: {  	[bflag:$0x0] =	sbarrier.arrive $0xFFFF  }
0x298: {  	_ =	strace $0x90000047  }
0x299: {  	s0 =	stileid.u32;
	[bflag:$0x2] =	sbarrier.arrive $0xFFFF  }
0x29a: {  	p0 =	sne.s32 s0, $0x0;
	s0 =	rddreg [dreg:$0x4]  }
0x29b: {  	s0 =	sadd.s32 @!p0 $0x100000, s0  }
0x29c: {  	[sflag:s0] =	ssyncadd.tile.s32 @!p0 $0x1;
	_ =	shalt  }
.Lfunc_end2:
_tile_overlayer_lowered:
.L_overlay_start_2:
0x29d: {  	(tag) =	ssettag $0x2  }
0x29e: {  	s0 =	rddreg [dreg:$0x0];
	s2 =	stileid.u32  }
0x29f: {  	s1 =	rddreg [dreg:$0x1];
	p0 =	sne.s32 s2, $0x0  }
0x2a0: {  	s3 =	rddreg [dreg:$0x2];
	[bflag:$0x3] =	sbarrier.arrive $0xFFFF;
	s2 =	simm.s32 @!p0 $0x1C07  }
0x2a1: {  	[timem:s3], [sflag:s2] =	dma.local @!p0 [hbm:s0], s1  }
0x2a2: {  	s0 =	simm.s32 @!p0 $0x7  }
0x2a3: {  	_ =	swait.ge @!p0 [sflag:s0], s1  }
0x2a4: {  	s1 =	ssub.s32 @!p0 $0x0, s1;
	[sflag:s0] =	ssyncset.done @!p0 $0x0  }
0x2a5: {  	[sflag:s0] =	ssyncadd.s32 @!p0 s1  }
0x2a6: {  	[bflag:$0x3] =	sbarrier.arrive $0xFFFF  }
0x2a7: {  	_ =	shalt  }

// kernel: sparse-core-data-format-call.cloned.1.call-start
scs
called_computation_lowered:
.L_overlay_start_0:
0x0: {  	s2 =	sld [smem:$0x3FD9]  }
0x1: {  	s3 =	sld [smem:$0x3FFE];
	_ =	sdelay $0x1  }
0x2: {  	s1 =	srdreg.scid  }
0x3: {  	s0 =	sand.u32 $0x1, s1  }
0x4: {  	s18 =	sshll.u32 s0, $0xA;
	s2 =	sadd.s32 s3, s2  }
0x5: {  	s2 =	sadd.s32 s2, s18  }
0x6: {  	[smem:$0x3FC1] =	sst s2  }
0x7: {  	_ = 	snop  }
0x8: {  	s2 =	sld [smem:$0x3FD0];
	(tm) =	ssettm $0x1  }
0x9: {  	s19 =	sld [smem:$0x3FFB];
	_ =	sdelay $0x3  }
0xa: {  	_ =	strace s19  }
0xb: {  	s3 =	sld [smem:$0x3FFC];
	_ =	sdelay $0x3  }
0xc: {  	_ =	strace s3  }
0xd: {  	s3 =	sld [smem:$0x3FFD];
	_ =	sdelay $0x3  }
0xe: {  	_ =	strace s3  }
0xf: {  	_ =	strace $0x8FFFFFFF  }
0x10: {  	s20 =	sld [smem:$0x3FDB];
	_ =	sdelay $0x1  }
0x11: {  	s4 =	simm.s32 $_scs_section_size  }
0x12: {  	s5 =	simm.s32 $_size__tile_overlayer_lowered;
	s6 =	simm.s32 $_tile_overlayer_lowered  }
0x13: {  	s23 =	simm.s32 $0x1BFF;
	s22 =	sshll.u32 s6, $0x1;
	s3 =	sadd.s32 s4, s20  }
0x14: {  	s7 =	simm.s32 $0x0;
	s21 =	sshll.u32 s5, $0x1;
	s5 =	sadd.s32 s22, s3  }
0x15: {  	[timem:s7], [sflag:s23] =	dma.local [hbm:s5], s21  }
0x16: {  	_ =	swait.ge [sflag:s23], s21  }
0x17: {  	s4 =	ssub.s32 $0x0, s21;
	[sflag:s23] =	ssyncset.done $0x0  }
0x18: {  	[sflag:s23] =	ssyncadd.s32 s4;
	_ =	sdelay $0x1  }
0x19: {  	s24 =	simm.s32 $0x1B8B  }
0x1a: {  	_ =	swait.ge [sflag:s24], $0x1  }
0x1b: {  	[sflag:s24] =	ssyncset.done $0x0  }
0x1c: {  	s26 =	simm.s32 $0x1B8E;
	s25 =	sld [smem:$0x3FFE];
	[sflag:s24] =	ssyncadd.s32 $0xFFFFFFFF  }
0x1d: {  	s27 =	simm.s32 $execute0_lowered;
	[smem:$0x3FD2] =	sst s26  }
0x1e: {  	s5 =	sshll.u32 s27, $0x1;
	_ =	strace $0x80000049;
	[dreg:$0x1] =	wrdreg $0xFFFFFFFF  }
0x1f: {  	s28 =	simm.s32 $_size_execute0_lowered;
	s3 =	sadd.s32 s3, s5;
	[dreg:$0x0] =	wrdreg $0x0  }
0x20: {  	s5 =	sshll.u32 s28, $0x1;
	[dreg:$0x2] =	wrdreg s3  }
0x21: {  	[dreg:$0x3] =	wrdreg s5  }
0x22: {  	[dreg:$0x4] =	wrdreg $0xC0  }
0x23: {  	_ =	task [dreg:s7], $0x5FFFF  }
0x24: {  	[dreg:$0x1] =	wrdreg $0xFFFFFFFF  }
0x25: {  	[dreg:$0x0] =	wrdreg $0x60  }
0x26: {  	[dreg:$0x2] =	wrdreg s25  }
0x27: {  	[dreg:$0x3] =	wrdreg s2  }
0x28: {  	[dreg:$0x4] =	wrdreg $0x9  }
0x29: {  	_ =	task.clear_ibuf [dreg:s7], $0x5FFFF;
	_ =	strace $0x90000049  }
0x2a: {  	s29 =	simm.s32 $0x9;
	_ =	strace $0x8000004B  }
0x2b: {  	_ =	swait.ge [sflag:s29], $0x1  }
0x2c: {  	[sflag:s29] =	ssyncadd.s32 $0xFFFFFFFF  }
0x2d: {  	_ =	strace $0x9000004B  }
0x2e: {  	_ =	sfence  }
0x2f: {  	s30 =	sld [smem:$0x0];
	_ =	sdelay $0x2  }
0x30: {  	s31 =	sshll.u32 s1, $0xD;
	s1 =	sshrl.u32 s1, $0x2  }
0x31: {  	s3 =	sand.u32 $0x4000, s31;
	s1 =	sadd.s32 s1, s30  }
0x32: {  	s0 =	sor.u32 s3, s0;
	s1 =	sshll.u32 s1, $0x11  }
0x33: {  	s0 =	sor.u32 s1, s0  }
0x34: {  	s0 =	sadd.s32 $0x8F2B, s0  }
0x35: {  	[sflag:s0] =	ssyncadd.remote.s32 $0x1  }
0x36: {  	_ =	sfence.sel $0xFFFF  }
0x37: {  	[dreg:$0x0] =	wrdreg $0xFFFFFFFF;
	(pc) =	sbr.abs _section_cstart, $3  }
0x38: {  	[dreg:$0x1] =	wrdreg $0xFFFFFFFF  }
0x39: {  	_ =	task.clear_ibuf [dreg:s7], $0x2FFFF;
	_ =	strace $0x9FFFFFFF  }
0x3a: {  	(tm) =	ssettm $0x7FFFFFFF  }
0x3b: {  	_ =	shalt  }
tec
execute0_lowered:
.L_overlay_start_1:
0x0: {  	(tag) =	ssettag $0x1  }
0x1: {  	s0 =	stileid.u32  }
0x2: {  	s7 =	rddreg [dreg:$0x0];
	s1 =	srdreg.scid  }
0x3: {  	s2 =	rddreg [dreg:$0x1];
	s31 =	simm.s32 $0x2;
	s13 =	simm.s32 $0x0  }
0x4: {  	s14 =	simm.s32 $0x0;
	s3 =	sshll.u32 s0, $0x7;
	s4 =	sshll.u32 s1, $0x4  }
0x5: {  	s12 =	simm.s32 $0x0;
	s3 =	sand.u32 $0x380, s3;
	s4 =	sand.u32 $0x10, s4  }
0x6: {  	s1 =	rddreg [dreg:$0x2];
	s5 =	ssub.s32 $0x400, s3;
	s4 =	sor.u32 s0, s4  }
0x7: {  	_ =	strace $0x8000004A;
	s6 =	sand.u32 $0x380, s5;
	s4 =	sshrl.u32 s4, $0x3  }
0x8: {  	s8 =	sshrl.u32 s5, $0xA;
	p0 =	sne.s32 s6, $0x0;
	s6 =	simm.s32 $0x1  }
.Ltmp0:
0x9: {  	s9 =	ssub.s32 $0x84, s4;
	s6 =	simm.s32 @!p0 $0x0;
	(pc) =	sbr.rel .LBB1_1-.Ltmp0, $4  }
0xa: {  	s5 =	simm.s32 $0x1;
	s30 =	sshrl.u32 s9, $0x2;
	s6 =	sadd.s32 s6, s8  }
0xb: {  	s7 =	sadd.s32 $0x600, s7;
	[sflag:s5] =	ssyncpa.u1 $0x0;
	s6 =	smul.u32 s30, s6  }
0xc: {  	s11 =	smov.u32 s3;
	s10 =	smov.u32 s4;
	[sflag:s31] =	ssyncpa.u1 $0x0  }
0xd: {  	p0 =	por $0x0, $0x0;
	s9 =	simm.s32 $0x2000;
	s8 =	sadd.s32 $0x1, s6  }
.LBB1_4:
0xe: {  	s17 =	sand.u32 $0x1F80, s14;
	s13 =	sshll.u32 s13, $0xD  }
0xf: {  	[tilespmem:s16+$0x810 ss:$0x81] =	vst.msk $0xffff, v2;
	s18 =	sshrl.u32 s14, $0x3;
	s31 =	sand.u32 $0x7, s14;
	s17 =	sadd.s32 s2, s17  }
0x10: {  	[tilespmem:s16+$0x1020 ss:$0x81] =	vst.msk $0xffff, v0;
	s18 =	sand.u32 $0xF, s18;
	s14 =	sshll.u32 s31, $0x12;
	s13 =	sadd.s32 s13, s17  }
0x11: {  	[tilespmem:s16+$0x0 ss:$0x81] =	vst.msk $0xffff, v1;
	s14 =	sor.u32 $0x400, s14;
	s13 =	sadd.s32 s18, s13  }
0x12: {  	[hbm4b:s13+s14] =	stream.strided.scatter [tilespmem:s15], [sflag:$0x2], $0x2000, s9, s14, $0x20;
	[tilespmem:$0x8080] =	vst v63  }
.LBB1_5:
0x13: {  	s15 =	sadd.s32 $0x4, s10  }
0x14: {  	s13 =	sadd.s32 $0x400, s11;
	s17 =	smov.u32 s11;
	p2 =	sgt.s32 s15, $0x80  }
0x15: {  	s17 =	smov.u32 @p2 s13  }
0x16: {  	s15 =	smov.u32 @p2 s4;
	p2 =	sgt.s32 s17, $0x3FF  }
0x17: {  	s17 =	smov.u32 @p2 s3;
	p2 =	sne.s32 s12, s8  }
.Ltmp1:
0x18: {  	p1 =	slt.u32 s12, $0x2;
	(pc) =	sbr.rel @!p2 .LBB1_6-.Ltmp1, $4  }
0x19: {  	s16 =	simm.s32 @!p1 $0x2  }
0x1a: {  	s14 =	smov.u32 s11;
	p0 =	por !p0, !p0;
	_ =	swait.ge @!p1 [sflag:s16], $0x2000  }
0x1b: {  	s13 =	smov.u32 s10;
	[sflag:s16] =	ssyncset.done @!p1 $0x0;
	s10 =	smov.u32 s15  }
0x1c: {  	s12 =	sadd.s32 $0x1, s12;
	[sflag:s16] =	ssyncadd.s32 @!p1 $0xFFFFE000;
	s11 =	smov.u32 s17  }
.LBB1_1:
0x1d: {  	p1 =	sge.u32 s12, s6  }
0x1e: {  	s15 =	sand.u32 @!p1 $0x1FFFFFF, s10  }
0x1f: {  	s16 =	smulhi.u32 @!p1 $0x1E1E1E2, s15;
	_ =	sdelay $0x1  }
0x20: {  	s16 =	smul.u32 @!p1 $0x88, s16  }
0x21: {  	s17 =	sxor.u32 @!p1 $0xFFFFFFFF, s12;
	s18 =	smul.u32 @!p1 $0x880, s11  }
0x22: {  	s31 =	sadd.s32 $0xFFFFFFFF, s12;
	s17 =	sshll.u32 @!p1 s17, $0xD;
	s15 =	ssub.s32 @!p1 s15, s16  }
0x23: {  	s16 =	sand.u32 @!p1 $0x2000, s17;
	s17 =	sadd.s32 @!p1 s7, s18;
	s15 =	sshll.u32 @!p1 s15, $0x4  }
0x24: {  	s18 =	simm.s32 @!p1 $0x4400;
	s15 =	sadd.s32 @!p1 s15, s17;
	s17 =	simm.s32 @!p1 $0x40  }
0x25: {  	[tilespmem:s16], [sflag:$0x1] =	stream.strided.gather @!p1 [hbm4b:s15+s17], $0x2000, s18, s17, $0x38;
	[tilespmem:$0x8080] =	vst v63  }
0x26: {  	p1 =	sge.u32 s31, s6  }
.Ltmp2:
0x27: {  	_ = 	snop;
	(pc) =	sbr.rel @p1 .LBB1_5-.Ltmp2, $1  }
0x28: {  	_ =	sdelay $0x3  }
0x29: {  	s15 =	simm.s32 $0x1  }
0x2a: {  	_ =	swait.ge [sflag:s5], $0x2000;
	s15 =	simm.s32 @!p0 $0x0  }
0x2b: {  	[sflag:s5] =	ssyncset.done $0x0;
	s16 =	sshll.u32 s15, $0xD  }
0x2c: {  	[sflag:s5] =	ssyncadd.s32 $0xFFFFE000;
	s19 =	sor.u32 $0x20, s16  }
0x2d: {  	s15 =	smul.u32 $0x8100, s15;
	v3 =	vld [tilespmem:s19+$0x10]  }
0x2e: {  	s30 =	sand.u32 $0x1, s12;
	v2 =	vld [tilespmem:s19+$0xFFFFFFF0]  }
0x2f: {  	s16 =	smul.u32 $0x8100, s30;
	s15 =	sshrl.u32 s15, $0x2;
	v0 =	vld [tilespmem:s19+$0x0]  }
0x30: {  	v1 =	vld [tilespmem:s19+$0xFFFFFFE0];
	s17 =	sor.u32 $0x4000, s15  }
0x31: {  	s31 =	sshrl.u32 s16, $0x2;
	s16 =	sadd.s32 $0x0, s17  }
0x32: {  	s18 =	simm.s32 $0x4;
	s19 =	sadd.s32 $0x40, s19;
	s15 =	sor.u32 $0x4000, s31;
	[tilespmem:s16+$0x1830 ss:$0x81] =	vst.msk $0xffff, v3  }
.LBB1_3:
0x33: {  	v3 =	vld [tilespmem:s19+$0x10];
	p1 =	sne.s32 s18, $0x1FC;
	[tilespmem:s16+$0x810 ss:$0x81] =	vst.msk $0xffff, v2;
	s20 =	smov.u32 s18;
	s18 =	sadd.s32 $0x4, s18  }
.Ltmp3:
0x34: {  	v2 =	vld [tilespmem:s19+$0xFFFFFFF0];
	[tilespmem:s16+$0x1020 ss:$0x81] =	vst.msk $0xffff, v0;
	(pc) =	sbr.rel @p1 .LBB1_3-.Ltmp3, $4  }
0x35: {  	v0 =	vld [tilespmem:s19+$0x0];
	[tilespmem:s16+$0x0 ss:$0x81] =	vst.msk $0xffff, v1  }
0x36: {  	s16 =	sshra.s32 s20, $0x2;
	v1 =	vld [tilespmem:s19+$0xFFFFFFE0]  }
0x37: {  	s16 =	sadd.s32 s16, s17  }
0x38: {  	s19 =	sadd.s32 $0x40, s19;
	[tilespmem:s16+$0x1830 ss:$0x81] =	vst.msk $0xffff, v3  }
.Ltmp4:
0x39: {  	_ = 	snop;
	(pc) =	sbr.rel .LBB1_4-.Ltmp4, $1  }
0x3a: {  	_ =	sdelay $0x3  }
.LBB1_6:
0x3b: {  	_ =	sfence.sel $0x180000  }
0x3c: {  	s2 =	simm.s32 $0x1;
	[bflag:$0x0] =	sbarrier.arrive $0xFFFF  }
0x3d: {  	s31 =	simm.s32 $0x2;
	[sflag:s2] =	ssyncpa.u1 $0x1  }
0x3e: {  	[sflag:s31] =	ssyncpa.u1 $0x1  }
0x3f: {  	p0 =	sne.s32 s0, $0x0;
	_ =	strace $0x9000004A  }
0x40: {  	s0 =	sadd.s32 @!p0 $0x100000, s1;
	[bflag:$0x2] =	sbarrier.arrive $0xFFFF  }
0x41: {  	[sflag:s0] =	ssyncadd.tile.s32 @!p0 $0x1;
	_ =	shalt  }
.Lfunc_end1:
_tile_overlayer_lowered:
.L_overlay_start_2:
0x42: {  	(tag) =	ssettag $0x2  }
0x43: {  	s0 =	rddreg [dreg:$0x0];
	s2 =	stileid.u32  }
0x44: {  	s1 =	rddreg [dreg:$0x1];
	p0 =	sne.s32 s2, $0x0  }
0x45: {  	s3 =	rddreg [dreg:$0x2];
	[bflag:$0x3] =	sbarrier.arrive $0xFFFF;
	s2 =	simm.s32 @!p0 $0x1C01  }
0x46: {  	[timem:s3], [sflag:s2] =	dma.local @!p0 [hbm:s0], s1  }
0x47: {  	s0 =	simm.s32 @!p0 $0x1  }
0x48: {  	_ =	swait.ge @!p0 [sflag:s0], s1  }
0x49: {  	s1 =	ssub.s32 @!p0 $0x0, s1;
	[sflag:s0] =	ssyncset.done @!p0 $0x0  }
0x4a: {  	[sflag:s0] =	ssyncadd.s32 @!p0 s1  }
0x4b: {  	[bflag:$0x3] =	sbarrier.arrive $0xFFFF  }
0x4c: {  	_ =	shalt  }

</sc_bundles>
